<compile_context>
chip_gen: v7x
topology: tpu7x:2x2x1
jax: 0.10.2.dev20260603
libtpu: 0.0.44.dev20260713+nightly
codegen_flags: <defaults>
</compile_context>

<pallas_src>
import functools

import jax
import jax.numpy as jnp
from jax import lax
from jax.experimental import pallas as pl
from jax.experimental.pallas import tpu as pltpu
from jax.experimental.pallas import tpu_sc as plsc

_TOP_P = 0.75
_ENT_SQ_THRESH = 0.5
_DYN_LOSS_COEF = 0.01
_AUX_LOSS_COEF = 0.001


def _merge16(a, b):
    br = jnp.flip(b, axis=0)
    lo = jnp.minimum(a, br)
    hi = jnp.maximum(a, br)
    return jnp.sort(lo), jnp.sort(hi)


def _merge32(a0, a1, b0, b1):
    c0 = jnp.flip(b1, axis=0)
    c1 = jnp.flip(b0, axis=0)
    l0 = jnp.minimum(a0, c0)
    l1 = jnp.minimum(a1, c1)
    h0 = jnp.maximum(a0, c0)
    h1 = jnp.maximum(a1, c1)
    ll0 = jnp.minimum(l0, l1)
    ll1 = jnp.maximum(l0, l1)
    hh0 = jnp.minimum(h0, h1)
    hh1 = jnp.maximum(h0, h1)
    return jnp.sort(ll0), jnp.sort(ll1), jnp.sort(hh0), jnp.sort(hh1)


def _sc_partials(x_sc, n_sc, num_experts, num_workers, chunk):
    per_w = n_sc // num_workers
    n_chunks = per_w // chunk

    mesh = plsc.VectorSubcoreMesh(core_axis_name="c", subcore_axis_name="s")

    @functools.partial(
        pl.kernel,
        mesh=mesh,
        out_type=[
            jax.ShapeDtypeStruct((num_workers, num_experts), jnp.float32),
            jax.ShapeDtypeStruct((num_workers, num_experts), jnp.float32),
            jax.ShapeDtypeStruct((num_workers, 16), jnp.float32),
        ],
        scratch_types=[
            pltpu.VMEM((chunk, num_experts), jnp.float32),
            pltpu.VMEM((num_experts,), jnp.float32),
            pltpu.VMEM((num_experts,), jnp.float32),
            pltpu.VMEM((16,), jnp.float32),
        ],
        compiler_params=pltpu.CompilerParams(needs_layout_passes=False),
    )
    def run(x_hbm, out_p, out_pm, out_misc, xbuf, st_p, st_pm, st_m):
        wid = lax.axis_index("s") * 2 + lax.axis_index("c")
        base = wid * per_w
        lanes = lax.iota(jnp.int32, 16)

        def per_token(t, acc):
            ap0, ap1, ap2, ap3, am0, am1, am2, am3, assq = acc
            x0 = xbuf[t, 0:16]
            x1 = xbuf[t, 16:32]
            x2 = xbuf[t, 32:48]
            x3 = xbuf[t, 48:64]
            e0 = jnp.exp(x0)
            e1 = jnp.exp(x1)
            e2 = jnp.exp(x2)
            e3 = jnp.exp(x3)

            s0 = jnp.sort(e0)
            s1 = jnp.sort(e1)
            s2 = jnp.sort(e2)
            s3 = jnp.sort(e3)
            a0, a1 = _merge16(s0, s1)
            b0, b1 = _merge16(s2, s3)
            r0, r1, r2, r3 = _merge32(a0, a1, b0, b1)

            t0 = jnp.sum(r0)
            t1 = jnp.sum(r1)
            t2 = jnp.sum(r2)
            t3 = jnp.sum(r3)
            c0 = jnp.cumsum(r0)
            c1 = jnp.cumsum(r1) + t0
            c2 = jnp.cumsum(r2) + (t0 + t1)
            c3 = jnp.cumsum(r3) + (t0 + t1 + t2)
            z = t0 + t1 + t2 + t3
            lim = _TOP_P * z
            e0_ = (z - c0 + r0) <= lim
            e1_ = (z - c1 + r1) <= lim
            e2_ = (z - c2 + r2) <= lim
            e3_ = ((z - c3 + r3) <= lim) | (lanes >= 14)
            big = jnp.float32(3e38)
            cand = jnp.minimum(
                jnp.minimum(jnp.where(e0_, r0, big), jnp.where(e1_, r1, big)),
                jnp.minimum(jnp.where(e2_, r2, big), jnp.where(e3_, r3, big)),
            )
            theta = jnp.min(cand)
            sumsqe = jnp.sum(e0 * e0 + e1 * e1 + e2 * e2 + e3 * e3)
            theta = jnp.where(sumsqe < _ENT_SQ_THRESH * z * z, 0.0, theta)

            rz = 1.0 / (jnp.zeros((16,), jnp.float32) + z)
            p0 = e0 * rz
            p1 = e1 * rz
            p2 = e2 * rz
            p3 = e3 * rz
            return (
                ap0 + p0,
                ap1 + p1,
                ap2 + p2,
                ap3 + p3,
                am0 + jnp.where(e0 >= theta, p0, 0.0),
                am1 + jnp.where(e1 >= theta, p1, 0.0),
                am2 + jnp.where(e2 >= theta, p2, 0.0),
                am3 + jnp.where(e3 >= theta, p3, 0.0),
                assq + sumsqe * rz * rz,
            )

        def per_chunk(ci, acc):
            tok0 = base + ci * chunk
            pltpu.sync_copy(x_hbm.at[pl.ds(tok0, chunk), :], xbuf)
            return lax.fori_loop(0, chunk, per_token, acc)

        zv = jnp.zeros((16,), jnp.float32)
        acc = (zv, zv, zv, zv, zv, zv, zv, zv, zv)
        acc = lax.fori_loop(0, n_chunks, per_chunk, acc)
        ap0, ap1, ap2, ap3, am0, am1, am2, am3, assq = acc

        st_p[0:16] = ap0
        st_p[16:32] = ap1
        st_p[32:48] = ap2
        st_p[48:64] = ap3
        st_pm[0:16] = am0
        st_pm[16:32] = am1
        st_pm[32:48] = am2
        st_pm[48:64] = am3
        st_m[...] = jnp.where(lanes == 0, assq, 0.0)
        pltpu.sync_copy(st_p, out_p.at[wid])
        pltpu.sync_copy(st_pm, out_pm.at[wid])
        pltpu.sync_copy(st_m, out_misc.at[wid])

    return run(x_sc)


def _tc_body(x_ref, sp_ref, spm_ref, ssq_ref):
    i = pl.program_id(0)

    @pl.when(i == 0)
    def _init():
        sp_ref[...] = jnp.zeros_like(sp_ref)
        spm_ref[...] = jnp.zeros_like(spm_ref)
        ssq_ref[...] = jnp.zeros_like(ssq_ref)

    x = x_ref[...]
    num_experts = x.shape[0]
    m = jnp.max(x, axis=0, keepdims=True)
    e = jnp.exp(x - m)
    z = jnp.sum(e, axis=0, keepdims=True)
    rz = 1.0 / z
    p = e * rz

    sumsq = jnp.sum(p * p, axis=0, keepdims=True)
    high = sumsq < _ENT_SQ_THRESH

    max1 = rz
    max2 = jnp.max(jnp.where(p >= max1, -1.0, p), axis=0, keepdims=True)

    acc = jnp.zeros_like(x)
    for j in range(num_experts):
        vj = p[j : j + 1, :]
        acc = acc + jnp.where(vj > p, vj, 0.0)

    kept = (acc + p) <= _TOP_P
    mask = kept | (p >= max2) | high

    pm = p * mask.astype(x.dtype)
    sp_ref[...] += jnp.sum(p, axis=1, keepdims=True)
    spm_ref[...] += jnp.sum(pm, axis=1, keepdims=True)
    ssq_ref[...] += jnp.sum(sumsq, axis=1, keepdims=True)


def _tc_partials(x_t, tok0, block_t):
    num_experts, n = x_t.shape
    nb = (n - tok0) // block_t
    blk0 = tok0 // block_t
    return pl.pallas_call(
        _tc_body,
        grid=(nb,),
        in_specs=[pl.BlockSpec((num_experts, block_t), lambda i: (0, i + blk0))],
        out_specs=[
            pl.BlockSpec((num_experts, 1), lambda i: (0, 0)),
            pl.BlockSpec((num_experts, 1), lambda i: (0, 0)),
            pl.BlockSpec((1, 1), lambda i: (0, 0)),
        ],
        out_shape=[
            jax.ShapeDtypeStruct((num_experts, 1), jnp.float32),
            jax.ShapeDtypeStruct((num_experts, 1), jnp.float32),
            jax.ShapeDtypeStruct((1, 1), jnp.float32),
        ],
    )(x_t)


def kernel(gate_logits, attention_mask):
    n, num_experts = gate_logits.shape
    num_workers = 32
    chunk = 256
    n_sc = 90112

    del attention_mask

    out_p, out_pm, out_misc = _sc_partials(
        gate_logits[:n_sc], n_sc, num_experts, num_workers, chunk
    )
    tc_sp, tc_spm, tc_ssq = _tc_partials(gate_logits.T, n_sc, 512)

    sp = jnp.sum(out_p, axis=0) + tc_sp[:, 0]
    spm = jnp.sum(out_pm, axis=0) + tc_spm[:, 0]
    ssq = jnp.sum(out_misc[:, 0]) + tc_ssq[0, 0]

    denom = jnp.float32(n) + 1e-8
    tokens_per_expert = spm / denom
    router_prob_per_expert = sp / denom
    load_balance = num_experts * jnp.sum(tokens_per_expert * router_prob_per_expert)
    entropy_mean = 1.0 - ssq / n
    return _DYN_LOSS_COEF * entropy_mean + _AUX_LOSS_COEF * load_balance

# --- scband reference (transcript-rebuilt; emitter-appended) ---
"""Pipeline reference for scband-dyn-mole-router-loss-87763361726898 (READ-ONLY COPY).

The authoritative reference and input builder live on the scoring server;
editing this copy changes nothing except your own understanding.
"""

import jax, jax.numpy as jnp
import numpy as np

ENTROPY_THRESHOLD = 0.5
ENTROPY_INDEX = 2.0
ENTROPY_EPS = 1e-05
KEEP_TOP_K = 2
TOP_P = 0.75
DYN_LOSS_COEF = 0.01
AUX_LOSS_COEF = 0.001


def _tsallis_entropy(p, a, eps):
    if a == 1.0:
        return -jnp.sum(p * jnp.log(p + eps), axis=-1)
    return (1.0 - jnp.sum(p ** a, axis=-1)) / (a - 1.0)


def setup_inputs(seed: int = 0):
    key = jax.random.key(seed)
    k1 = jax.random.fold_in(key, 1)
    gate_logits = jax.random.normal(k1, (131072, 64), dtype=jnp.float32)
    attention_mask = jnp.ones((4, 4096), dtype=jnp.float32)
    return {"gate_logits": gate_logits, "attention_mask": attention_mask}


def reference(gate_logits, attention_mask):
    orig_routing_weights = jax.nn.softmax(gate_logits, axis=-1)
    # _dynamic_routing on the softmax probabilities
    order = jnp.argsort(-orig_routing_weights, axis=-1)  # descending sort indices
    sorted_probs = jnp.take_along_axis(orig_routing_weights, order, axis=-1)
    cumulative_probs = jnp.cumsum(sorted_probs, axis=-1)
    expert_mask = (cumulative_probs <= TOP_P).astype(orig_routing_weights.dtype)
    expert_mask = expert_mask.at[..., :KEEP_TOP_K].set(1.0)
    # scatter_(-1, sorted_indices, expert_mask): invert the sort permutation
    inv = jnp.argsort(order, axis=-1)
    final_mask = jnp.take_along_axis(expert_mask, inv, axis=-1)
    router_entropy = _tsallis_entropy(orig_routing_weights, ENTROPY_INDEX, ENTROPY_EPS)
    if ENTROPY_INDEX > 0.0 and ENTROPY_THRESHOLD < 1.0:
        high_entropy_mask = router_entropy > ENTROPY_THRESHOLD
        final_mask = jnp.where(high_entropy_mask[..., None], jnp.ones_like(final_mask), final_mask)
    routing_weights = orig_routing_weights * final_mask
    entropy_loss = jnp.mean(router_entropy)
    num_experts = routing_weights.shape[-1]
    batch_size, sequence_length = attention_mask.shape
    num_hidden_layers = routing_weights.shape[0] // (batch_size * sequence_length)
    per_expert_attention_mask = jnp.broadcast_to(
        attention_mask[None, :, :, None],
        (num_hidden_layers, batch_size, sequence_length, num_experts),
    ).reshape(-1, num_experts)
    sum_per_expert_attention_mask = jnp.sum(per_expert_attention_mask, axis=0)
    tokens_per_expert = jnp.sum(routing_weights * per_expert_attention_mask, axis=0) / (
        sum_per_expert_attention_mask + 1e-08
    )
    router_prob_per_expert = jnp.sum(orig_routing_weights * per_expert_attention_mask, axis=0) / (
        sum_per_expert_attention_mask + 1e-08
    )
    load_balance_loss = num_experts * jnp.sum(tokens_per_expert * router_prob_per_expert)
    return DYN_LOSS_COEF * entropy_loss + AUX_LOSS_COEF * load_balance_loss

if __name__ == "__main__":
    import jax
    _d = setup_inputs()
    print(jax.jit(kernel)(*tuple(_d.values())))

</pallas_src>

<mosaic_0001>
#map = affine_map<(d0, d1) -> (0, 0)>
module attributes {stable_mosaic.version = 14 : i64} {
  func.func @run(%arg0: i32, %arg1: i32, %arg2: memref<90112x64xf32, #tpu.memory_space<hbm>>, %arg3: memref<32x64xf32, #tpu.memory_space<hbm>>, %arg4: memref<32x64xf32, #tpu.memory_space<hbm>>, %arg5: memref<32x16xf32, #tpu.memory_space<hbm>>, %arg6: memref<256x64xf32, #tpu.memory_space<vmem>>, %arg7: memref<64xf32, #tpu.memory_space<vmem>>, %arg8: memref<64xf32, #tpu.memory_space<vmem>>, %arg9: memref<16xf32, #tpu.memory_space<vmem>>) attributes {dimension_semantics = [#tpu.dimension_semantics<core_parallel>, #tpu.dimension_semantics<subcore_parallel>], iteration_bounds = array<i64: 2, 16>, scalar_prefetch = 0 : i64, scratch_operands = 4 : i64, tpu.core_type = #tpu.core_type<sc_vector_subcore>, window_params = [{transform_indices = #map}, {transform_indices = #map}, {transform_indices = #map}, {transform_indices = #map}]} {
    %mul3A = arith.constant 2 : i32
    %mul3A_0 = arith.muli %arg1, %mul3A : i32
    %add3A = arith.addi %mul3A_0, %arg0 : i32
    %mul3A_1 = arith.constant 2816 : i32
    %mul3A_2 = arith.muli %add3A, %mul3A_1 : i32
    %iota3A = tpu.iota {dimensions = array<i32: 0>} : vector<16xi32>
    %broadcast_in_dim3A = arith.constant 0.000000e+00 : f32
    %broadcast_in_dim3A_3 = vector.broadcast %broadcast_in_dim3A : f32 to vector<16xf32>
    %scan3A = arith.constant 0 : i32
    %scan3A_4 = arith.constant 11 : i32
    %scan3A_5 = arith.addi %scan3A, %scan3A_4 : i32
    %scan3A_6 = arith.constant 1 : i32
    %scan3A_7:9 = scf.for %scan3A_29 = %scan3A to %scan3A_5 step %scan3A_6 iter_args(%scan3A_30 = %broadcast_in_dim3A_3, %scan3A_31 = %broadcast_in_dim3A_3, %scan3A_32 = %broadcast_in_dim3A_3, %scan3A_33 = %broadcast_in_dim3A_3, %scan3A_34 = %broadcast_in_dim3A_3, %scan3A_35 = %broadcast_in_dim3A_3, %scan3A_36 = %broadcast_in_dim3A_3, %scan3A_37 = %broadcast_in_dim3A_3, %scan3A_38 = %broadcast_in_dim3A_3) -> (vector<16xf32>, vector<16xf32>, vector<16xf32>, vector<16xf32>, vector<16xf32>, vector<16xf32>, vector<16xf32>, vector<16xf32>, vector<16xf32>)  : i32 {
      %mul3A_39 = arith.constant 256 : i32
      %mul3A_40 = arith.muli %scan3A_29, %mul3A_39 : i32
      %add3A_41 = arith.addi %mul3A_2, %mul3A_40 : i32
      "tpu.region"() ({
        %run_scoped3A = tpu.sem_alloc : memref<!tpu.dma_semaphore, #tpu.memory_space<semaphore_mem>>
        %dma_start3A = arith.constant 0 : i32
        %dma_start3A_48 = tpu.memref_slice %arg2[%add3A_41, %dma_start3A] : memref<90112x64xf32, #tpu.memory_space<hbm>> -> memref<256x64xf32, #tpu.memory_space<hbm>>
        %dma_start3A_49 = arith.constant 0 : i32
        %dma_start3A_50 = tpu.memref_slice %arg2[%add3A_41, %dma_start3A_49] : memref<90112x64xf32, #tpu.memory_space<hbm>> -> memref<256x64xf32, #tpu.memory_space<hbm>>
        tpu.enqueue_dma source(%dma_start3A_50 : memref<256x64xf32, #tpu.memory_space<hbm>>) target(%arg6 : memref<256x64xf32, #tpu.memory_space<vmem>>) target_semaphore(%run_scoped3A : memref<!tpu.dma_semaphore, #tpu.memory_space<semaphore_mem>>)
        %dma_wait3A = arith.constant 0 : i32
        %dma_wait3A_51 = tpu.memref_slice %arg2[%add3A_41, %dma_wait3A] : memref<90112x64xf32, #tpu.memory_space<hbm>> -> memref<256x64xf32, #tpu.memory_space<hbm>>
        %dma_wait3A_52 = arith.constant 0 : i32
        %dma_wait3A_53 = tpu.memref_slice %arg2[%add3A_41, %dma_wait3A_52] : memref<90112x64xf32, #tpu.memory_space<hbm>> -> memref<256x64xf32, #tpu.memory_space<hbm>>
        tpu.wait_dma2 semaphore(%run_scoped3A : memref<!tpu.dma_semaphore, #tpu.memory_space<semaphore_mem>>) src(%dma_wait3A_53 : memref<256x64xf32, #tpu.memory_space<hbm>>) dst(%arg6 : memref<256x64xf32, #tpu.memory_space<vmem>>)
        tpu.yield
      }) : () -> ()
      %scan3A_42 = arith.constant 0 : i32
      %scan3A_43 = arith.constant 256 : i32
      %scan3A_44 = arith.addi %scan3A_42, %scan3A_43 : i32
      %scan3A_45 = arith.constant 1 : i32
      %scan3A_46:9 = scf.for %scan3A_48 = %scan3A_42 to %scan3A_44 step %scan3A_45 iter_args(%scan3A_49 = %scan3A_30, %scan3A_50 = %scan3A_31, %scan3A_51 = %scan3A_32, %scan3A_52 = %scan3A_33, %scan3A_53 = %scan3A_34, %scan3A_54 = %scan3A_35, %scan3A_55 = %scan3A_36, %scan3A_56 = %scan3A_37, %scan3A_57 = %scan3A_38) -> (vector<16xf32>, vector<16xf32>, vector<16xf32>, vector<16xf32>, vector<16xf32>, vector<16xf32>, vector<16xf32>, vector<16xf32>, vector<16xf32>)  : i32 {
        %get3A = arith.index_cast %scan3A_48 : i32 to index
        %get3A_58 = arith.constant 0 : index
        %get3A_59 = tpu.vector_load %arg6[%get3A, %get3A_58] {strides = array<i32>} : memref<256x64xf32, #tpu.memory_space<vmem>>, vector<16xf32>,
        %get3A_60 = arith.index_cast %scan3A_48 : i32 to index
        %get3A_61 = arith.constant 16 : index
        %get3A_62 = tpu.vector_load %arg6[%get3A_60, %get3A_61] {strides = array<i32>} : memref<256x64xf32, #tpu.memory_space<vmem>>, vector<16xf32>,
        %get3A_63 = arith.index_cast %scan3A_48 : i32 to index
        %get3A_64 = arith.constant 32 : index
        %get3A_65 = tpu.vector_load %arg6[%get3A_63, %get3A_64] {strides = array<i32>} : memref<256x64xf32, #tpu.memory_space<vmem>>, vector<16xf32>,
        %get3A_66 = arith.index_cast %scan3A_48 : i32 to index
        %get3A_67 = arith.constant 48 : index
        %get3A_68 = tpu.vector_load %arg6[%get3A_66, %get3A_67] {strides = array<i32>} : memref<256x64xf32, #tpu.memory_space<vmem>>, vector<16xf32>,
        %exp3A = math.exp %get3A_59 : vector<16xf32>
        %exp3A_69 = math.exp %get3A_62 : vector<16xf32>
        %exp3A_70 = math.exp %get3A_65 : vector<16xf32>
        %exp3A_71 = math.exp %get3A_68 : vector<16xf32>
        %sort3A = arith.constant dense<true> : vector<16xi1>
        %sort3A_72, %sort3A_73, %sort3A_74 = tpu.sort %exp3A, %exp3A masked %sort3A : (vector<16xf32>, vector<16xf32>, vector<16xi1>) -> (vector<16xi1>, vector<16xf32>, vector<16xf32>)
        %sort3A_75 = arith.constant dense<true> : vector<16xi1>
        %sort3A_76, %sort3A_77, %sort3A_78 = tpu.sort %exp3A_69, %exp3A_69 masked %sort3A_75 : (vector<16xf32>, vector<16xf32>, vector<16xi1>) -> (vector<16xi1>, vector<16xf32>, vector<16xf32>)
        %sort3A_79 = arith.constant dense<true> : vector<16xi1>
        %sort3A_80, %sort3A_81, %sort3A_82 = tpu.sort %exp3A_70, %exp3A_70 masked %sort3A_79 : (vector<16xf32>, vector<16xf32>, vector<16xi1>) -> (vector<16xi1>, vector<16xf32>, vector<16xf32>)
        %sort3A_83 = arith.constant dense<true> : vector<16xi1>
        %sort3A_84, %sort3A_85, %sort3A_86 = tpu.sort %exp3A_71, %exp3A_71 masked %sort3A_83 : (vector<16xf32>, vector<16xf32>, vector<16xi1>) -> (vector<16xi1>, vector<16xf32>, vector<16xf32>)
        %rev3A = arith.constant 15 : i32
        %rev3A_87 = vector.broadcast %rev3A : i32 to vector<16xi32>
        %rev3A_88 = tpu.iota {dimensions = array<i32: 0>} : vector<16xi32>
        %rev3A_89 = arith.subi %rev3A_87, %rev3A_88 : vector<16xi32>
        %rev3A_90 = tpu.dynamic_gather %sort3A_77[%rev3A_89] in [0] : vector<16xf32>, vector<16xi32> -> vector<16xf32>
        %min3A = arith.minimumf %sort3A_73, %rev3A_90 : vector<16xf32>
        %max3A = arith.maximumf %sort3A_73, %rev3A_90 : vector<16xf32>
        %sort3A_91 = arith.constant dense<true> : vector<16xi1>
        %sort3A_92, %sort3A_93, %sort3A_94 = tpu.sort %min3A, %min3A masked %sort3A_91 : (vector<16xf32>, vector<16xf32>, vector<16xi1>) -> (vector<16xi1>, vector<16xf32>, vector<16xf32>)
        %sort3A_95 = arith.constant dense<true> : vector<16xi1>
        %sort3A_96, %sort3A_97, %sort3A_98 = tpu.sort %max3A, %max3A masked %sort3A_95 : (vector<16xf32>, vector<16xf32>, vector<16xi1>) -> (vector<16xi1>, vector<16xf32>, vector<16xf32>)
        %rev3A_99 = arith.constant 15 : i32
        %rev3A_100 = vector.broadcast %rev3A_99 : i32 to vector<16xi32>
        %rev3A_101 = tpu.iota {dimensions = array<i32: 0>} : vector<16xi32>
        %rev3A_102 = arith.subi %rev3A_100, %rev3A_101 : vector<16xi32>
        %rev3A_103 = tpu.dynamic_gather %sort3A_85[%rev3A_102] in [0] : vector<16xf32>, vector<16xi32> -> vector<16xf32>
        %min3A_104 = arith.minimumf %sort3A_81, %rev3A_103 : vector<16xf32>
        %max3A_105 = arith.maximumf %sort3A_81, %rev3A_103 : vector<16xf32>
        %sort3A_106 = arith.constant dense<true> : vector<16xi1>
        %sort3A_107, %sort3A_108, %sort3A_109 = tpu.sort %min3A_104, %min3A_104 masked %sort3A_106 : (vector<16xf32>, vector<16xf32>, vector<16xi1>) -> (vector<16xi1>, vector<16xf32>, vector<16xf32>)
        %sort3A_110 = arith.constant dense<true> : vector<16xi1>
        %sort3A_111, %sort3A_112, %sort3A_113 = tpu.sort %max3A_105, %max3A_105 masked %sort3A_110 : (vector<16xf32>, vector<16xf32>, vector<16xi1>) -> (vector<16xi1>, vector<16xf32>, vector<16xf32>)
        %rev3A_114 = arith.constant 15 : i32
        %rev3A_115 = vector.broadcast %rev3A_114 : i32 to vector<16xi32>
        %rev3A_116 = tpu.iota {dimensions = array<i32: 0>} : vector<16xi32>
        %rev3A_117 = arith.subi %rev3A_115, %rev3A_116 : vector<16xi32>
        %rev3A_118 = tpu.dynamic_gather %sort3A_112[%rev3A_117] in [0] : vector<16xf32>, vector<16xi32> -> vector<16xf32>
        %rev3A_119 = arith.constant 15 : i32
        %rev3A_120 = vector.broadcast %rev3A_119 : i32 to vector<16xi32>
        %rev3A_121 = tpu.iota {dimensions = array<i32: 0>} : vector<16xi32>
        %rev3A_122 = arith.subi %rev3A_120, %rev3A_121 : vector<16xi32>
        %rev3A_123 = tpu.dynamic_gather %sort3A_108[%rev3A_122] in [0] : vector<16xf32>, vector<16xi32> -> vector<16xf32>
        %min3A_124 = arith.minimumf %sort3A_93, %rev3A_118 : vector<16xf32>
        %min3A_125 = arith.minimumf %sort3A_97, %rev3A_123 : vector<16xf32>
        %max3A_126 = arith.maximumf %sort3A_93, %rev3A_118 : vector<16xf32>
        %max3A_127 = arith.maximumf %sort3A_97, %rev3A_123 : vector<16xf32>
        %min3A_128 = arith.minimumf %min3A_124, %min3A_125 : vector<16xf32>
        %max3A_129 = arith.maximumf %min3A_124, %min3A_125 : vector<16xf32>
        %min3A_130 = arith.minimumf %max3A_126, %max3A_127 : vector<16xf32>
        %max3A_131 = arith.maximumf %max3A_126, %max3A_127 : vector<16xf32>
        %sort3A_132 = arith.constant dense<true> : vector<16xi1>
        %sort3A_133, %sort3A_134, %sort3A_135 = tpu.sort %min3A_128, %min3A_128 masked %sort3A_132 : (vector<16xf32>, vector<16xf32>, vector<16xi1>) -> (vector<16xi1>, vector<16xf32>, vector<16xf32>)
        %sort3A_136 = arith.constant dense<true> : vector<16xi1>
        %sort3A_137, %sort3A_138, %sort3A_139 = tpu.sort %max3A_129, %max3A_129 masked %sort3A_136 : (vector<16xf32>, vector<16xf32>, vector<16xi1>) -> (vector<16xi1>, vector<16xf32>, vector<16xf32>)
        %sort3A_140 = arith.constant dense<true> : vector<16xi1>
        %sort3A_141, %sort3A_142, %sort3A_143 = tpu.sort %min3A_130, %min3A_130 masked %sort3A_140 : (vector<16xf32>, vector<16xf32>, vector<16xi1>) -> (vector<16xi1>, vector<16xf32>, vector<16xf32>)
        %sort3A_144 = arith.constant dense<true> : vector<16xi1>
        %sort3A_145, %sort3A_146, %sort3A_147 = tpu.sort %max3A_131, %max3A_131 masked %sort3A_144 : (vector<16xf32>, vector<16xf32>, vector<16xi1>) -> (vector<16xi1>, vector<16xf32>, vector<16xf32>)
        %reduce_sum3A = arith.constant true
        %reduce_sum3A_148 = vector.broadcast %reduce_sum3A : i1 to vector<16xi1>
        %reduce_sum3A_149 = tpu.scan <sum>, %sort3A_134 masked %reduce_sum3A_148 : vector<16xf32>, vector<16xi1> -> vector<16xf32>
        %reduce_sum3A_150 = vector.extract %reduce_sum3A_149[15] : f32 from vector<16xf32>
        %reduce_sum3A_151 = arith.constant true
        %reduce_sum3A_152 = vector.broadcast %reduce_sum3A_151 : i1 to vector<16xi1>
        %reduce_sum3A_153 = tpu.scan <sum>, %sort3A_138 masked %reduce_sum3A_152 : vector<16xf32>, vector<16xi1> -> vector<16xf32>
        %reduce_sum3A_154 = vector.extract %reduce_sum3A_153[15] : f32 from vector<16xf32>
        %reduce_sum3A_155 = arith.constant true
        %reduce_sum3A_156 = vector.broadcast %reduce_sum3A_155 : i1 to vector<16xi1>
        %reduce_sum3A_157 = tpu.scan <sum>, %sort3A_142 masked %reduce_sum3A_156 : vector<16xf32>, vector<16xi1> -> vector<16xf32>
        %reduce_sum3A_158 = vector.extract %reduce_sum3A_157[15] : f32 from vector<16xf32>
        %reduce_sum3A_159 = arith.constant true
        %reduce_sum3A_160 = vector.broadcast %reduce_sum3A_159 : i1 to vector<16xi1>
        %reduce_sum3A_161 = tpu.scan <sum>, %sort3A_146 masked %reduce_sum3A_160 : vector<16xf32>, vector<16xi1> -> vector<16xf32>
        %reduce_sum3A_162 = vector.extract %reduce_sum3A_161[15] : f32 from vector<16xf32>
        %cumsum3A = arith.constant true
        %cumsum3A_163 = vector.broadcast %cumsum3A : i1 to vector<16xi1>
        %cumsum3A_164 = tpu.scan <sum>, %sort3A_134 masked %cumsum3A_163 : vector<16xf32>, vector<16xi1> -> vector<16xf32>
        %cumsum3A_165 = arith.constant true
        %cumsum3A_166 = vector.broadcast %cumsum3A_165 : i1 to vector<16xi1>
        %cumsum3A_167 = tpu.scan <sum>, %sort3A_138 masked %cumsum3A_166 : vector<16xf32>, vector<16xi1> -> vector<16xf32>
        %add3A_168 = vector.broadcast %reduce_sum3A_150 : f32 to vector<16xf32>
        %add3A_169 = arith.addf %cumsum3A_167, %add3A_168 : vector<16xf32>
        %cumsum3A_170 = arith.constant true
        %cumsum3A_171 = vector.broadcast %cumsum3A_170 : i1 to vector<16xi1>
        %cumsum3A_172 = tpu.scan <sum>, %sort3A_142 masked %cumsum3A_171 : vector<16xf32>, vector<16xi1> -> vector<16xf32>
        %add3A_173 = arith.addf %reduce_sum3A_150, %reduce_sum3A_154 : f32
        %add3A_174 = vector.broadcast %add3A_173 : f32 to vector<16xf32>
        %add3A_175 = arith.addf %cumsum3A_172, %add3A_174 : vector<16xf32>
        %cumsum3A_176 = arith.constant true
        %cumsum3A_177 = vector.broadcast %cumsum3A_176 : i1 to vector<16xi1>
        %cumsum3A_178 = tpu.scan <sum>, %sort3A_146 masked %cumsum3A_177 : vector<16xf32>, vector<16xi1> -> vector<16xf32>
        %add3A_179 = arith.addf %reduce_sum3A_150, %reduce_sum3A_154 : f32
        %add3A_180 = arith.addf %add3A_179, %reduce_sum3A_158 : f32
        %add3A_181 = vector.broadcast %add3A_180 : f32 to vector<16xf32>
        %add3A_182 = arith.addf %cumsum3A_178, %add3A_181 : vector<16xf32>
        %add3A_183 = arith.addf %reduce_sum3A_150, %reduce_sum3A_154 : f32
        %add3A_184 = arith.addf %add3A_183, %reduce_sum3A_158 : f32
        %add3A_185 = arith.addf %add3A_184, %reduce_sum3A_162 : f32
        %mul3A_186 = arith.constant 7.500000e-01 : f32
        %mul3A_187 = arith.mulf %mul3A_186, %add3A_185 : f32
        %sub3A = vector.broadcast %add3A_185 : f32 to vector<16xf32>
        %sub3A_188 = arith.subf %sub3A, %cumsum3A_164 : vector<16xf32>
        %add3A_189 = arith.addf %sub3A_188, %sort3A_134 : vector<16xf32>
        %le3A = vector.broadcast %mul3A_187 : f32 to vector<16xf32>
        %le3A_190 = arith.cmpf ole, %add3A_189, %le3A : vector<16xf32>
        %sub3A_191 = vector.broadcast %add3A_185 : f32 to vector<16xf32>
        %sub3A_192 = arith.subf %sub3A_191, %add3A_169 : vector<16xf32>
        %add3A_193 = arith.addf %sub3A_192, %sort3A_138 : vector<16xf32>
        %le3A_194 = vector.broadcast %mul3A_187 : f32 to vector<16xf32>
        %le3A_195 = arith.cmpf ole, %add3A_193, %le3A_194 : vector<16xf32>
        %sub3A_196 = vector.broadcast %add3A_185 : f32 to vector<16xf32>
        %sub3A_197 = arith.subf %sub3A_196, %add3A_175 : vector<16xf32>
        %add3A_198 = arith.addf %sub3A_197, %sort3A_142 : vector<16xf32>
        %le3A_199 = vector.broadcast %mul3A_187 : f32 to vector<16xf32>
        %le3A_200 = arith.cmpf ole, %add3A_198, %le3A_199 : vector<16xf32>
        %sub3A_201 = vector.broadcast %add3A_185 : f32 to vector<16xf32>
        %sub3A_202 = arith.subf %sub3A_201, %add3A_182 : vector<16xf32>
        %add3A_203 = arith.addf %sub3A_202, %sort3A_146 : vector<16xf32>
        %le3A_204 = vector.broadcast %mul3A_187 : f32 to vector<16xf32>
        %le3A_205 = arith.cmpf ole, %add3A_203, %le3A_204 : vector<16xf32>
        %ge3A = arith.constant 14 : i32
        %ge3A_206 = vector.broadcast %ge3A : i32 to vector<16xi32>
        %ge3A_207 = arith.cmpi sge, %iota3A, %ge3A_206 : vector<16xi32>
        %or3A = arith.ori %le3A_205, %ge3A_207 : vector<16xi1>
        %jit3A_208 = arith.constant 3.000000e+38 : f32
        %broadcast_in_dim3A_209 = vector.broadcast %jit3A_208 : f32 to vector<16xf32>
        %select_n3A_210 = arith.select %le3A_190, %sort3A_134, %broadcast_in_dim3A_209 : vector<16xi1>, vector<16xf32>
        %jit3A_211 = arith.constant 3.000000e+38 : f32
        %broadcast_in_dim3A_212 = vector.broadcast %jit3A_211 : f32 to vector<16xf32>
        %select_n3A_213 = arith.select %le3A_195, %sort3A_138, %broadcast_in_dim3A_212 : vector<16xi1>, vector<16xf32>
        %min3A_214 = arith.minimumf %select_n3A_210, %select_n3A_213 : vector<16xf32>
        %jit3A_215 = arith.constant 3.000000e+38 : f32
        %broadcast_in_dim3A_216 = vector.broadcast %jit3A_215 : f32 to vector<16xf32>
        %select_n3A_217 = arith.select %le3A_200, %sort3A_142, %broadcast_in_dim3A_216 : vector<16xi1>, vector<16xf32>
        %jit3A_218 = arith.constant 3.000000e+38 : f32
        %broadcast_in_dim3A_219 = vector.broadcast %jit3A_218 : f32 to vector<16xf32>
        %select_n3A_220 = arith.select %or3A, %sort3A_146, %broadcast_in_dim3A_219 : vector<16xi1>, vector<16xf32>
        %min3A_221 = arith.minimumf %select_n3A_217, %select_n3A_220 : vector<16xf32>
        %min3A_222 = arith.minimumf %min3A_214, %min3A_221 : vector<16xf32>
        %reduce_min3A = arith.constant true
        %reduce_min3A_223 = vector.broadcast %reduce_min3A : i1 to vector<16xi1>
        %reduce_min3A_224 = tpu.scan <min>, %min3A_222 masked %reduce_min3A_223 : vector<16xf32>, vector<16xi1> -> vector<16xf32>
        %reduce_min3A_225 = vector.extract %reduce_min3A_224[15] : f32 from vector<16xf32>
        %mul3A_226 = arith.mulf %exp3A, %exp3A : vector<16xf32>
        %mul3A_227 = arith.mulf %exp3A_69, %exp3A_69 : vector<16xf32>
        %add3A_228 = arith.addf %mul3A_226, %mul3A_227 : vector<16xf32>
        %mul3A_229 = arith.mulf %exp3A_70, %exp3A_70 : vector<16xf32>
        %add3A_230 = arith.addf %add3A_228, %mul3A_229 : vector<16xf32>
        %mul3A_231 = arith.mulf %exp3A_71, %exp3A_71 : vector<16xf32>
        %add3A_232 = arith.addf %add3A_230, %mul3A_231 : vector<16xf32>
        %reduce_sum3A_233 = arith.constant true
        %reduce_sum3A_234 = vector.broadcast %reduce_sum3A_233 : i1 to vector<16xi1>
        %reduce_sum3A_235 = tpu.scan <sum>, %add3A_232 masked %reduce_sum3A_234 : vector<16xf32>, vector<16xi1> -> vector<16xf32>
        %reduce_sum3A_236 = vector.extract %reduce_sum3A_235[15] : f32 from vector<16xf32>
        %mul3A_237 = arith.constant 5.000000e-01 : f32
        %mul3A_238 = arith.mulf %mul3A_237, %add3A_185 : f32
        %mul3A_239 = arith.mulf %mul3A_238, %add3A_185 : f32
        %lt3A = arith.cmpf olt, %reduce_sum3A_236, %mul3A_239 : f32
        %jit3A_240 = arith.constant 0.000000e+00 : f32
        %select_n3A_241 = arith.select %lt3A, %jit3A_240, %reduce_min3A_225 : f32
        %broadcast_in_dim3A_242 = arith.constant 0.000000e+00 : f32
        %broadcast_in_dim3A_243 = vector.broadcast %broadcast_in_dim3A_242 : f32 to vector<16xf32>
        %add3A_244 = vector.broadcast %add3A_185 : f32 to vector<16xf32>
        %add3A_245 = arith.addf %broadcast_in_dim3A_243, %add3A_244 : vector<16xf32>
        %div3A = arith.constant 1.000000e+00 : f32
        %div3A_246 = vector.broadcast %div3A : f32 to vector<16xf32>
        %div3A_247 = arith.divf %div3A_246, %add3A_245 : vector<16xf32>
        %mul3A_248 = arith.mulf %exp3A, %div3A_247 : vector<16xf32>
        %mul3A_249 = arith.mulf %exp3A_69, %div3A_247 : vector<16xf32>
        %mul3A_250 = arith.mulf %exp3A_70, %div3A_247 : vector<16xf32>
        %mul3A_251 = arith.mulf %exp3A_71, %div3A_247 : vector<16xf32>
        %add3A_252 = arith.addf %scan3A_49, %mul3A_248 : vector<16xf32>
        %add3A_253 = arith.addf %scan3A_50, %mul3A_249 : vector<16xf32>
        %add3A_254 = arith.addf %scan3A_51, %mul3A_250 : vector<16xf32>
        %add3A_255 = arith.addf %scan3A_52, %mul3A_251 : vector<16xf32>
        %ge3A_256 = vector.broadcast %select_n3A_241 : f32 to vector<16xf32>
        %ge3A_257 = arith.cmpf oge, %exp3A, %ge3A_256 : vector<16xf32>
        %jit3A_258 = arith.constant 0.000000e+00 : f32
        %broadcast_in_dim3A_259 = vector.broadcast %jit3A_258 : f32 to vector<16xf32>
        %select_n3A_260 = arith.select %ge3A_257, %mul3A_248, %broadcast_in_dim3A_259 : vector<16xi1>, vector<16xf32>
        %add3A_261 = arith.addf %scan3A_53, %select_n3A_260 : vector<16xf32>
        %ge3A_262 = vector.broadcast %select_n3A_241 : f32 to vector<16xf32>
        %ge3A_263 = arith.cmpf oge, %exp3A_69, %ge3A_262 : vector<16xf32>
        %jit3A_264 = arith.constant 0.000000e+00 : f32
        %broadcast_in_dim3A_265 = vector.broadcast %jit3A_264 : f32 to vector<16xf32>
        %select_n3A_266 = arith.select %ge3A_263, %mul3A_249, %broadcast_in_dim3A_265 : vector<16xi1>, vector<16xf32>
        %add3A_267 = arith.addf %scan3A_54, %select_n3A_266 : vector<16xf32>
        %ge3A_268 = vector.broadcast %select_n3A_241 : f32 to vector<16xf32>
        %ge3A_269 = arith.cmpf oge, %exp3A_70, %ge3A_268 : vector<16xf32>
        %jit3A_270 = arith.constant 0.000000e+00 : f32
        %broadcast_in_dim3A_271 = vector.broadcast %jit3A_270 : f32 to vector<16xf32>
        %select_n3A_272 = arith.select %ge3A_269, %mul3A_250, %broadcast_in_dim3A_271 : vector<16xi1>, vector<16xf32>
        %add3A_273 = arith.addf %scan3A_55, %select_n3A_272 : vector<16xf32>
        %ge3A_274 = vector.broadcast %select_n3A_241 : f32 to vector<16xf32>
        %ge3A_275 = arith.cmpf oge, %exp3A_71, %ge3A_274 : vector<16xf32>
        %jit3A_276 = arith.constant 0.000000e+00 : f32
        %broadcast_in_dim3A_277 = vector.broadcast %jit3A_276 : f32 to vector<16xf32>
        %select_n3A_278 = arith.select %ge3A_275, %mul3A_251, %broadcast_in_dim3A_277 : vector<16xi1>, vector<16xf32>
        %add3A_279 = arith.addf %scan3A_56, %select_n3A_278 : vector<16xf32>
        %mul3A_280 = vector.broadcast %reduce_sum3A_236 : f32 to vector<16xf32>
        %mul3A_281 = arith.mulf %mul3A_280, %div3A_247 : vector<16xf32>
        %mul3A_282 = arith.mulf %mul3A_281, %div3A_247 : vector<16xf32>
        %add3A_283 = arith.addf %scan3A_57, %mul3A_282 : vector<16xf32>
        scf.yield %add3A_252, %add3A_253, %add3A_254, %add3A_255, %add3A_261, %add3A_267, %add3A_273, %add3A_279, %add3A_283 : vector<16xf32>, vector<16xf32>, vector<16xf32>, vector<16xf32>, vector<16xf32>, vector<16xf32>, vector<16xf32>, vector<16xf32>, vector<16xf32>
      }
      %scan3A_47 = arith.constant 256 : i32
      scf.yield %scan3A_46#0, %scan3A_46#1, %scan3A_46#2, %scan3A_46#3, %scan3A_46#4, %scan3A_46#5, %scan3A_46#6, %scan3A_46#7, %scan3A_46#8 : vector<16xf32>, vector<16xf32>, vector<16xf32>, vector<16xf32>, vector<16xf32>, vector<16xf32>, vector<16xf32>, vector<16xf32>, vector<16xf32>
    }
    %scan3A_8 = arith.constant 11 : i32
    %swap3A = arith.constant 0 : index
    %swap3A_9 = tpu.vector_load %arg7[%swap3A] {strides = array<i32>} : memref<64xf32, #tpu.memory_space<vmem>>, vector<16xf32>,
    tpu.vector_store %arg7[%swap3A], %scan3A_7#0 {strides = array<i32>} : memref<64xf32, #tpu.memory_space<vmem>>, vector<16xf32>,
    %swap3A_10 = arith.constant 16 : index
    %swap3A_11 = tpu.vector_load %arg7[%swap3A_10] {strides = array<i32>} : memref<64xf32, #tpu.memory_space<vmem>>, vector<16xf32>,
    tpu.vector_store %arg7[%swap3A_10], %scan3A_7#1 {strides = array<i32>} : memref<64xf32, #tpu.memory_space<vmem>>, vector<16xf32>,
    %swap3A_12 = arith.constant 32 : index
    %swap3A_13 = tpu.vector_load %arg7[%swap3A_12] {strides = array<i32>} : memref<64xf32, #tpu.memory_space<vmem>>, vector<16xf32>,
    tpu.vector_store %arg7[%swap3A_12], %scan3A_7#2 {strides = array<i32>} : memref<64xf32, #tpu.memory_space<vmem>>, vector<16xf32>,
    %swap3A_14 = arith.constant 48 : index
    %swap3A_15 = tpu.vector_load %arg7[%swap3A_14] {strides = array<i32>} : memref<64xf32, #tpu.memory_space<vmem>>, vector<16xf32>,
    tpu.vector_store %arg7[%swap3A_14], %scan3A_7#3 {strides = array<i32>} : memref<64xf32, #tpu.memory_space<vmem>>, vector<16xf32>,
    %swap3A_16 = arith.constant 0 : index
    %swap3A_17 = tpu.vector_load %arg8[%swap3A_16] {strides = array<i32>} : memref<64xf32, #tpu.memory_space<vmem>>, vector<16xf32>,
    tpu.vector_store %arg8[%swap3A_16], %scan3A_7#4 {strides = array<i32>} : memref<64xf32, #tpu.memory_space<vmem>>, vector<16xf32>,
    %swap3A_18 = arith.constant 16 : index
    %swap3A_19 = tpu.vector_load %arg8[%swap3A_18] {strides = array<i32>} : memref<64xf32, #tpu.memory_space<vmem>>, vector<16xf32>,
    tpu.vector_store %arg8[%swap3A_18], %scan3A_7#5 {strides = array<i32>} : memref<64xf32, #tpu.memory_space<vmem>>, vector<16xf32>,
    %swap3A_20 = arith.constant 32 : index
    %swap3A_21 = tpu.vector_load %arg8[%swap3A_20] {strides = array<i32>} : memref<64xf32, #tpu.memory_space<vmem>>, vector<16xf32>,
    tpu.vector_store %arg8[%swap3A_20], %scan3A_7#6 {strides = array<i32>} : memref<64xf32, #tpu.memory_space<vmem>>, vector<16xf32>,
    %swap3A_22 = arith.constant 48 : index
    %swap3A_23 = tpu.vector_load %arg8[%swap3A_22] {strides = array<i32>} : memref<64xf32, #tpu.memory_space<vmem>>, vector<16xf32>,
    tpu.vector_store %arg8[%swap3A_22], %scan3A_7#7 {strides = array<i32>} : memref<64xf32, #tpu.memory_space<vmem>>, vector<16xf32>,
    %eq3A = arith.constant 0 : i32
    %eq3A_24 = vector.broadcast %eq3A : i32 to vector<16xi32>
    %eq3A_25 = arith.cmpi eq, %iota3A, %eq3A_24 : vector<16xi32>
    %jit3A = arith.constant 0.000000e+00 : f32
    %broadcast_in_dim3A_26 = vector.broadcast %jit3A : f32 to vector<16xf32>
    %select_n3A = arith.select %eq3A_25, %scan3A_7#8, %broadcast_in_dim3A_26 : vector<16xi1>, vector<16xf32>
    %swap3A_27 = arith.constant 0 : index
    %swap3A_28 = tpu.vector_load %arg9[%swap3A_27] {strides = array<i32>} : memref<16xf32, #tpu.memory_space<vmem>>, vector<16xf32>,
    tpu.vector_store %arg9[%swap3A_27], %select_n3A {strides = array<i32>} : memref<16xf32, #tpu.memory_space<vmem>>, vector<16xf32>,
    "tpu.region"() ({
      %run_scoped3A = tpu.sem_alloc : memref<!tpu.dma_semaphore, #tpu.memory_space<semaphore_mem>>
      %dma_start3A = arith.constant 0 : i32
      %dma_start3A_29 = tpu.memref_slice %arg3[%add3A, %dma_start3A] : memref<32x64xf32, #tpu.memory_space<hbm>> -> memref<1x64xf32, #tpu.memory_space<hbm>>
      %dma_start3A_30 = tpu.memref_squeeze %dma_start3A_29 : memref<1x64xf32, #tpu.memory_space<hbm>> -> memref<64xf32, #tpu.memory_space<hbm>>
      %dma_start3A_31 = arith.constant 0 : i32
      %dma_start3A_32 = tpu.memref_slice %arg3[%add3A, %dma_start3A_31] : memref<32x64xf32, #tpu.memory_space<hbm>> -> memref<1x64xf32, #tpu.memory_space<hbm>>
      %dma_start3A_33 = tpu.memref_squeeze %dma_start3A_32 : memref<1x64xf32, #tpu.memory_space<hbm>> -> memref<64xf32, #tpu.memory_space<hbm>>
      tpu.enqueue_dma source(%arg7 : memref<64xf32, #tpu.memory_space<vmem>>) target(%dma_start3A_33 : memref<64xf32, #tpu.memory_space<hbm>>) target_semaphore(%run_scoped3A : memref<!tpu.dma_semaphore, #tpu.memory_space<semaphore_mem>>)
      %dma_wait3A = arith.constant 0 : i32
      %dma_wait3A_34 = tpu.memref_slice %arg3[%add3A, %dma_wait3A] : memref<32x64xf32, #tpu.memory_space<hbm>> -> memref<1x64xf32, #tpu.memory_space<hbm>>
      %dma_wait3A_35 = tpu.memref_squeeze %dma_wait3A_34 : memref<1x64xf32, #tpu.memory_space<hbm>> -> memref<64xf32, #tpu.memory_space<hbm>>
      %dma_wait3A_36 = arith.constant 0 : i32
      %dma_wait3A_37 = tpu.memref_slice %arg3[%add3A, %dma_wait3A_36] : memref<32x64xf32, #tpu.memory_space<hbm>> -> memref<1x64xf32, #tpu.memory_space<hbm>>
      %dma_wait3A_38 = tpu.memref_squeeze %dma_wait3A_37 : memref<1x64xf32, #tpu.memory_space<hbm>> -> memref<64xf32, #tpu.memory_space<hbm>>
      tpu.wait_dma2 semaphore(%run_scoped3A : memref<!tpu.dma_semaphore, #tpu.memory_space<semaphore_mem>>) src(%arg7 : memref<64xf32, #tpu.memory_space<vmem>>) dst(%dma_wait3A_38 : memref<64xf32, #tpu.memory_space<hbm>>)
      tpu.yield
    }) : () -> ()
    "tpu.region"() ({
      %run_scoped3A = tpu.sem_alloc : memref<!tpu.dma_semaphore, #tpu.memory_space<semaphore_mem>>
      %dma_start3A = arith.constant 0 : i32
      %dma_start3A_29 = tpu.memref_slice %arg4[%add3A, %dma_start3A] : memref<32x64xf32, #tpu.memory_space<hbm>> -> memref<1x64xf32, #tpu.memory_space<hbm>>
      %dma_start3A_30 = tpu.memref_squeeze %dma_start3A_29 : memref<1x64xf32, #tpu.memory_space<hbm>> -> memref<64xf32, #tpu.memory_space<hbm>>
      %dma_start3A_31 = arith.constant 0 : i32
      %dma_start3A_32 = tpu.memref_slice %arg4[%add3A, %dma_start3A_31] : memref<32x64xf32, #tpu.memory_space<hbm>> -> memref<1x64xf32, #tpu.memory_space<hbm>>
      %dma_start3A_33 = tpu.memref_squeeze %dma_start3A_32 : memref<1x64xf32, #tpu.memory_space<hbm>> -> memref<64xf32, #tpu.memory_space<hbm>>
      tpu.enqueue_dma source(%arg8 : memref<64xf32, #tpu.memory_space<vmem>>) target(%dma_start3A_33 : memref<64xf32, #tpu.memory_space<hbm>>) target_semaphore(%run_scoped3A : memref<!tpu.dma_semaphore, #tpu.memory_space<semaphore_mem>>)
      %dma_wait3A = arith.constant 0 : i32
      %dma_wait3A_34 = tpu.memref_slice %arg4[%add3A, %dma_wait3A] : memref<32x64xf32, #tpu.memory_space<hbm>> -> memref<1x64xf32, #tpu.memory_space<hbm>>
      %dma_wait3A_35 = tpu.memref_squeeze %dma_wait3A_34 : memref<1x64xf32, #tpu.memory_space<hbm>> -> memref<64xf32, #tpu.memory_space<hbm>>
      %dma_wait3A_36 = arith.constant 0 : i32
      %dma_wait3A_37 = tpu.memref_slice %arg4[%add3A, %dma_wait3A_36] : memref<32x64xf32, #tpu.memory_space<hbm>> -> memref<1x64xf32, #tpu.memory_space<hbm>>
      %dma_wait3A_38 = tpu.memref_squeeze %dma_wait3A_37 : memref<1x64xf32, #tpu.memory_space<hbm>> -> memref<64xf32, #tpu.memory_space<hbm>>
      tpu.wait_dma2 semaphore(%run_scoped3A : memref<!tpu.dma_semaphore, #tpu.memory_space<semaphore_mem>>) src(%arg8 : memref<64xf32, #tpu.memory_space<vmem>>) dst(%dma_wait3A_38 : memref<64xf32, #tpu.memory_space<hbm>>)
      tpu.yield
    }) : () -> ()
    "tpu.region"() ({
      %run_scoped3A = tpu.sem_alloc : memref<!tpu.dma_semaphore, #tpu.memory_space<semaphore_mem>>
      %dma_start3A = arith.constant 0 : i32
      %dma_start3A_29 = tpu.memref_slice %arg5[%add3A, %dma_start3A] : memref<32x16xf32, #tpu.memory_space<hbm>> -> memref<1x16xf32, #tpu.memory_space<hbm>>
      %dma_start3A_30 = tpu.memref_squeeze %dma_start3A_29 : memref<1x16xf32, #tpu.memory_space<hbm>> -> memref<16xf32, #tpu.memory_space<hbm>>
      %dma_start3A_31 = arith.constant 0 : i32
      %dma_start3A_32 = tpu.memref_slice %arg5[%add3A, %dma_start3A_31] : memref<32x16xf32, #tpu.memory_space<hbm>> -> memref<1x16xf32, #tpu.memory_space<hbm>>
      %dma_start3A_33 = tpu.memref_squeeze %dma_start3A_32 : memref<1x16xf32, #tpu.memory_space<hbm>> -> memref<16xf32, #tpu.memory_space<hbm>>
      tpu.enqueue_dma source(%arg9 : memref<16xf32, #tpu.memory_space<vmem>>) target(%dma_start3A_33 : memref<16xf32, #tpu.memory_space<hbm>>) target_semaphore(%run_scoped3A : memref<!tpu.dma_semaphore, #tpu.memory_space<semaphore_mem>>)
      %dma_wait3A = arith.constant 0 : i32
      %dma_wait3A_34 = tpu.memref_slice %arg5[%add3A, %dma_wait3A] : memref<32x16xf32, #tpu.memory_space<hbm>> -> memref<1x16xf32, #tpu.memory_space<hbm>>
      %dma_wait3A_35 = tpu.memref_squeeze %dma_wait3A_34 : memref<1x16xf32, #tpu.memory_space<hbm>> -> memref<16xf32, #tpu.memory_space<hbm>>
      %dma_wait3A_36 = arith.constant 0 : i32
      %dma_wait3A_37 = tpu.memref_slice %arg5[%add3A, %dma_wait3A_36] : memref<32x16xf32, #tpu.memory_space<hbm>> -> memref<1x16xf32, #tpu.memory_space<hbm>>
      %dma_wait3A_38 = tpu.memref_squeeze %dma_wait3A_37 : memref<1x16xf32, #tpu.memory_space<hbm>> -> memref<16xf32, #tpu.memory_space<hbm>>
      tpu.wait_dma2 semaphore(%run_scoped3A : memref<!tpu.dma_semaphore, #tpu.memory_space<semaphore_mem>>) src(%arg9 : memref<16xf32, #tpu.memory_space<vmem>>) dst(%dma_wait3A_38 : memref<16xf32, #tpu.memory_space<hbm>>)
      tpu.yield
    }) : () -> ()
    return
  }
}

module attributes {stable_mosaic.version = 14 : i64} {
  func.func @_tc_body(%arg0: i32, %arg1: memref<64x512xf32, #tpu.memory_space<vmem>>, %arg2: memref<64x1xf32, #tpu.memory_space<vmem>>, %arg3: memref<64x1xf32, #tpu.memory_space<vmem>>, %arg4: memref<1x1xf32, #tpu.memory_space<vmem>>) attributes {dimension_semantics = [#tpu.dimension_semantics<arbitrary>], iteration_bounds = array<i64: 80>, scalar_prefetch = 0 : i64, scratch_operands = 0 : i64, tpu.core_type = #tpu.core_type<tc>, window_params = [{transform_indices = @transform_0, window_bounds = array<i64: 64, 512>}, {pipeline_mode = #tpu.pipeline_mode<synchronous>, transform_indices = @transform_1, window_bounds = array<i64: 64, 1>}, {pipeline_mode = #tpu.pipeline_mode<synchronous>, transform_indices = @transform_2, window_bounds = array<i64: 64, 1>}, {pipeline_mode = #tpu.pipeline_mode<synchronous>, transform_indices = @transform_3, window_bounds = array<i64: 1, 1>}]} {
    %eq3A = arith.constant 0 : i32
    %eq3A_0 = arith.cmpi eq, %arg0, %eq3A : i32
    %convert_element_type3A = arith.extui %eq3A_0 : i1 to i32
    %cond3A = arith.constant 0 : i32
    %cond3A_1 = arith.cmpi ne, %convert_element_type3A, %cond3A : i32
    scf.if %cond3A_1 {
      %broadcast_in_dim3A_636 = arith.constant 0.000000e+00 : f32
      %broadcast_in_dim3A_637 = vector.broadcast %broadcast_in_dim3A_636 : f32 to vector<64x1xf32>
      %swap3A_638 = arith.constant 0 : index
      %swap3A_639 = arith.constant 0 : index
      %swap3A_640 = vector.load %arg2[%swap3A_638, %swap3A_639] : memref<64x1xf32, #tpu.memory_space<vmem>>, vector<64x1xf32>
      tpu.vector_store %arg2[%swap3A_638, %swap3A_639], %broadcast_in_dim3A_637 {strides = array<i32>} : memref<64x1xf32, #tpu.memory_space<vmem>>, vector<64x1xf32>,
      %broadcast_in_dim3A_641 = arith.constant 0.000000e+00 : f32
      %broadcast_in_dim3A_642 = vector.broadcast %broadcast_in_dim3A_641 : f32 to vector<64x1xf32>
      %swap3A_643 = arith.constant 0 : index
      %swap3A_644 = arith.constant 0 : index
      %swap3A_645 = vector.load %arg3[%swap3A_643, %swap3A_644] : memref<64x1xf32, #tpu.memory_space<vmem>>, vector<64x1xf32>
      tpu.vector_store %arg3[%swap3A_643, %swap3A_644], %broadcast_in_dim3A_642 {strides = array<i32>} : memref<64x1xf32, #tpu.memory_space<vmem>>, vector<64x1xf32>,
      %broadcast_in_dim3A_646 = arith.constant 0.000000e+00 : f32
      %broadcast_in_dim3A_647 = vector.broadcast %broadcast_in_dim3A_646 : f32 to vector<1x1xf32>
      %swap3A_648 = arith.constant 0 : index
      %swap3A_649 = arith.constant 0 : index
      %swap3A_650 = vector.load %arg4[%swap3A_648, %swap3A_649] : memref<1x1xf32, #tpu.memory_space<vmem>>, vector<1x1xf32>
      tpu.vector_store %arg4[%swap3A_648, %swap3A_649], %broadcast_in_dim3A_647 {strides = array<i32>} : memref<1x1xf32, #tpu.memory_space<vmem>>, vector<1x1xf32>,
    } else {
    }
    %get3A = arith.constant 0 : index
    %get3A_2 = arith.constant 0 : index
    %get3A_3 = vector.load %arg1[%get3A, %get3A_2] : memref<64x512xf32, #tpu.memory_space<vmem>>, vector<64x512xf32>
    %reduce_max3A = arith.constant dense<0xFF800000> : vector<512xf32>
    %reduce_max3A_4 = vector.multi_reduction <maximumf>, %get3A_3, %reduce_max3A [0] : vector<64x512xf32> to vector<512xf32>
    %broadcast_in_dim3A = vector.shape_cast %reduce_max3A_4 : vector<512xf32> to vector<1x512xf32>
    %sub3A = vector.broadcast %broadcast_in_dim3A : vector<1x512xf32> to vector<64x512xf32>
    %sub3A_5 = arith.subf %get3A_3, %sub3A : vector<64x512xf32>
    %exp3A = math.exp %sub3A_5 : vector<64x512xf32>
    %reduce_sum3A = arith.constant dense<0.000000e+00> : vector<512xf32>
    %reduce_sum3A_6 = vector.multi_reduction <add>, %exp3A, %reduce_sum3A [0] : vector<64x512xf32> to vector<512xf32>
    %broadcast_in_dim3A_7 = vector.shape_cast %reduce_sum3A_6 : vector<512xf32> to vector<1x512xf32>
    %div3A = arith.constant 1.000000e+00 : f32
    %div3A_8 = vector.broadcast %div3A : f32 to vector<1x512xf32>
    %div3A_9 = arith.divf %div3A_8, %broadcast_in_dim3A_7 : vector<1x512xf32>
    %mul3A = vector.broadcast %div3A_9 : vector<1x512xf32> to vector<64x512xf32>
    %mul3A_10 = arith.mulf %exp3A, %mul3A : vector<64x512xf32>
    %mul3A_11 = arith.mulf %mul3A_10, %mul3A_10 : vector<64x512xf32>
    %reduce_sum3A_12 = arith.constant dense<0.000000e+00> : vector<512xf32>
    %reduce_sum3A_13 = vector.multi_reduction <add>, %mul3A_11, %reduce_sum3A_12 [0] : vector<64x512xf32> to vector<512xf32>
    %broadcast_in_dim3A_14 = vector.shape_cast %reduce_sum3A_13 : vector<512xf32> to vector<1x512xf32>
    %lt3A = arith.constant 5.000000e-01 : f32
    %lt3A_15 = vector.broadcast %lt3A : f32 to vector<1x512xf32>
    %lt3A_16 = arith.cmpf olt, %broadcast_in_dim3A_14, %lt3A_15 : vector<1x512xf32>
    %ge3A = vector.broadcast %div3A_9 : vector<1x512xf32> to vector<64x512xf32>
    %ge3A_17 = arith.cmpf oge, %mul3A_10, %ge3A : vector<64x512xf32>
    %jit3A = arith.constant -1.000000e+00 : f32
    %broadcast_in_dim3A_18 = vector.broadcast %jit3A : f32 to vector<64x512xf32>
    %select_n3A = arith.select %ge3A_17, %broadcast_in_dim3A_18, %mul3A_10 : vector<64x512xi1>, vector<64x512xf32>
    %reduce_max3A_19 = arith.constant dense<0xFF800000> : vector<512xf32>
    %reduce_max3A_20 = vector.multi_reduction <maximumf>, %select_n3A, %reduce_max3A_19 [0] : vector<64x512xf32> to vector<512xf32>
    %broadcast_in_dim3A_21 = vector.shape_cast %reduce_max3A_20 : vector<512xf32> to vector<1x512xf32>
    %broadcast_in_dim3A_22 = arith.constant 0.000000e+00 : f32
    %broadcast_in_dim3A_23 = vector.broadcast %broadcast_in_dim3A_22 : f32 to vector<64x512xf32>
    %slice3A = vector.extract_strided_slice %mul3A_10 {offsets = [0, 0], sizes = [1, 512], strides = [1, 1]} : vector<64x512xf32> to vector<1x512xf32>
    %gt3A = vector.broadcast %slice3A : vector<1x512xf32> to vector<64x512xf32>
    %gt3A_24 = arith.cmpf ogt, %gt3A, %mul3A_10 : vector<64x512xf32>
    %jit3A_25 = arith.constant 0.000000e+00 : f32
    %broadcast_in_dim3A_26 = vector.shape_cast %slice3A : vector<1x512xf32> to vector<1x512xf32>
    %broadcast_in_dim3A_27 = vector.broadcast %broadcast_in_dim3A_26 : vector<1x512xf32> to vector<64x512xf32>
    %broadcast_in_dim3A_28 = vector.broadcast %jit3A_25 : f32 to vector<64x512xf32>
    %select_n3A_29 = arith.select %gt3A_24, %broadcast_in_dim3A_27, %broadcast_in_dim3A_28 : vector<64x512xi1>, vector<64x512xf32>
    %add3A = arith.addf %broadcast_in_dim3A_23, %select_n3A_29 : vector<64x512xf32>
    %slice3A_30 = vector.extract_strided_slice %mul3A_10 {offsets = [1, 0], sizes = [1, 512], strides = [1, 1]} : vector<64x512xf32> to vector<1x512xf32>
    %gt3A_31 = vector.broadcast %slice3A_30 : vector<1x512xf32> to vector<64x512xf32>
    %gt3A_32 = arith.cmpf ogt, %gt3A_31, %mul3A_10 : vector<64x512xf32>
    %jit3A_33 = arith.constant 0.000000e+00 : f32
    %broadcast_in_dim3A_34 = vector.shape_cast %slice3A_30 : vector<1x512xf32> to vector<1x512xf32>
    %broadcast_in_dim3A_35 = vector.broadcast %broadcast_in_dim3A_34 : vector<1x512xf32> to vector<64x512xf32>
    %broadcast_in_dim3A_36 = vector.broadcast %jit3A_33 : f32 to vector<64x512xf32>
    %select_n3A_37 = arith.select %gt3A_32, %broadcast_in_dim3A_35, %broadcast_in_dim3A_36 : vector<64x512xi1>, vector<64x512xf32>
    %add3A_38 = arith.addf %add3A, %select_n3A_37 : vector<64x512xf32>
    %slice3A_39 = vector.extract_strided_slice %mul3A_10 {offsets = [2, 0], sizes = [1, 512], strides = [1, 1]} : vector<64x512xf32> to vector<1x512xf32>
    %gt3A_40 = vector.broadcast %slice3A_39 : vector<1x512xf32> to vector<64x512xf32>
    %gt3A_41 = arith.cmpf ogt, %gt3A_40, %mul3A_10 : vector<64x512xf32>
    %jit3A_42 = arith.constant 0.000000e+00 : f32
    %broadcast_in_dim3A_43 = vector.shape_cast %slice3A_39 : vector<1x512xf32> to vector<1x512xf32>
    %broadcast_in_dim3A_44 = vector.broadcast %broadcast_in_dim3A_43 : vector<1x512xf32> to vector<64x512xf32>
    %broadcast_in_dim3A_45 = vector.broadcast %jit3A_42 : f32 to vector<64x512xf32>
    %select_n3A_46 = arith.select %gt3A_41, %broadcast_in_dim3A_44, %broadcast_in_dim3A_45 : vector<64x512xi1>, vector<64x512xf32>
    %add3A_47 = arith.addf %add3A_38, %select_n3A_46 : vector<64x512xf32>
    %slice3A_48 = vector.extract_strided_slice %mul3A_10 {offsets = [3, 0], sizes = [1, 512], strides = [1, 1]} : vector<64x512xf32> to vector<1x512xf32>
    %gt3A_49 = vector.broadcast %slice3A_48 : vector<1x512xf32> to vector<64x512xf32>
    %gt3A_50 = arith.cmpf ogt, %gt3A_49, %mul3A_10 : vector<64x512xf32>
    %jit3A_51 = arith.constant 0.000000e+00 : f32
    %broadcast_in_dim3A_52 = vector.shape_cast %slice3A_48 : vector<1x512xf32> to vector<1x512xf32>
    %broadcast_in_dim3A_53 = vector.broadcast %broadcast_in_dim3A_52 : vector<1x512xf32> to vector<64x512xf32>
    %broadcast_in_dim3A_54 = vector.broadcast %jit3A_51 : f32 to vector<64x512xf32>
    %select_n3A_55 = arith.select %gt3A_50, %broadcast_in_dim3A_53, %broadcast_in_dim3A_54 : vector<64x512xi1>, vector<64x512xf32>
    %add3A_56 = arith.addf %add3A_47, %select_n3A_55 : vector<64x512xf32>
    %slice3A_57 = vector.extract_strided_slice %mul3A_10 {offsets = [4, 0], sizes = [1, 512], strides = [1, 1]} : vector<64x512xf32> to vector<1x512xf32>
    %gt3A_58 = vector.broadcast %slice3A_57 : vector<1x512xf32> to vector<64x512xf32>
    %gt3A_59 = arith.cmpf ogt, %gt3A_58, %mul3A_10 : vector<64x512xf32>
    %jit3A_60 = arith.constant 0.000000e+00 : f32
    %broadcast_in_dim3A_61 = vector.shape_cast %slice3A_57 : vector<1x512xf32> to vector<1x512xf32>
    %broadcast_in_dim3A_62 = vector.broadcast %broadcast_in_dim3A_61 : vector<1x512xf32> to vector<64x512xf32>
    %broadcast_in_dim3A_63 = vector.broadcast %jit3A_60 : f32 to vector<64x512xf32>
    %select_n3A_64 = arith.select %gt3A_59, %broadcast_in_dim3A_62, %broadcast_in_dim3A_63 : vector<64x512xi1>, vector<64x512xf32>
    %add3A_65 = arith.addf %add3A_56, %select_n3A_64 : vector<64x512xf32>
    %slice3A_66 = vector.extract_strided_slice %mul3A_10 {offsets = [5, 0], sizes = [1, 512], strides = [1, 1]} : vector<64x512xf32> to vector<1x512xf32>
    %gt3A_67 = vector.broadcast %slice3A_66 : vector<1x512xf32> to vector<64x512xf32>
    %gt3A_68 = arith.cmpf ogt, %gt3A_67, %mul3A_10 : vector<64x512xf32>
    %jit3A_69 = arith.constant 0.000000e+00 : f32
    %broadcast_in_dim3A_70 = vector.shape_cast %slice3A_66 : vector<1x512xf32> to vector<1x512xf32>
    %broadcast_in_dim3A_71 = vector.broadcast %broadcast_in_dim3A_70 : vector<1x512xf32> to vector<64x512xf32>
    %broadcast_in_dim3A_72 = vector.broadcast %jit3A_69 : f32 to vector<64x512xf32>
    %select_n3A_73 = arith.select %gt3A_68, %broadcast_in_dim3A_71, %broadcast_in_dim3A_72 : vector<64x512xi1>, vector<64x512xf32>
    %add3A_74 = arith.addf %add3A_65, %select_n3A_73 : vector<64x512xf32>
    %slice3A_75 = vector.extract_strided_slice %mul3A_10 {offsets = [6, 0], sizes = [1, 512], strides = [1, 1]} : vector<64x512xf32> to vector<1x512xf32>
    %gt3A_76 = vector.broadcast %slice3A_75 : vector<1x512xf32> to vector<64x512xf32>
    %gt3A_77 = arith.cmpf ogt, %gt3A_76, %mul3A_10 : vector<64x512xf32>
    %jit3A_78 = arith.constant 0.000000e+00 : f32
    %broadcast_in_dim3A_79 = vector.shape_cast %slice3A_75 : vector<1x512xf32> to vector<1x512xf32>
    %broadcast_in_dim3A_80 = vector.broadcast %broadcast_in_dim3A_79 : vector<1x512xf32> to vector<64x512xf32>
    %broadcast_in_dim3A_81 = vector.broadcast %jit3A_78 : f32 to vector<64x512xf32>
    %select_n3A_82 = arith.select %gt3A_77, %broadcast_in_dim3A_80, %broadcast_in_dim3A_81 : vector<64x512xi1>, vector<64x512xf32>
    %add3A_83 = arith.addf %add3A_74, %select_n3A_82 : vector<64x512xf32>
    %slice3A_84 = vector.extract_strided_slice %mul3A_10 {offsets = [7, 0], sizes = [1, 512], strides = [1, 1]} : vector<64x512xf32> to vector<1x512xf32>
    %gt3A_85 = vector.broadcast %slice3A_84 : vector<1x512xf32> to vector<64x512xf32>
    %gt3A_86 = arith.cmpf ogt, %gt3A_85, %mul3A_10 : vector<64x512xf32>
    %jit3A_87 = arith.constant 0.000000e+00 : f32
    %broadcast_in_dim3A_88 = vector.shape_cast %slice3A_84 : vector<1x512xf32> to vector<1x512xf32>
    %broadcast_in_dim3A_89 = vector.broadcast %broadcast_in_dim3A_88 : vector<1x512xf32> to vector<64x512xf32>
    %broadcast_in_dim3A_90 = vector.broadcast %jit3A_87 : f32 to vector<64x512xf32>
    %select_n3A_91 = arith.select %gt3A_86, %broadcast_in_dim3A_89, %broadcast_in_dim3A_90 : vector<64x512xi1>, vector<64x512xf32>
    %add3A_92 = arith.addf %add3A_83, %select_n3A_91 : vector<64x512xf32>
    %slice3A_93 = vector.extract_strided_slice %mul3A_10 {offsets = [8, 0], sizes = [1, 512], strides = [1, 1]} : vector<64x512xf32> to vector<1x512xf32>
    %gt3A_94 = vector.broadcast %slice3A_93 : vector<1x512xf32> to vector<64x512xf32>
    %gt3A_95 = arith.cmpf ogt, %gt3A_94, %mul3A_10 : vector<64x512xf32>
    %jit3A_96 = arith.constant 0.000000e+00 : f32
    %broadcast_in_dim3A_97 = vector.shape_cast %slice3A_93 : vector<1x512xf32> to vector<1x512xf32>
    %broadcast_in_dim3A_98 = vector.broadcast %broadcast_in_dim3A_97 : vector<1x512xf32> to vector<64x512xf32>
    %broadcast_in_dim3A_99 = vector.broadcast %jit3A_96 : f32 to vector<64x512xf32>
    %select_n3A_100 = arith.select %gt3A_95, %broadcast_in_dim3A_98, %broadcast_in_dim3A_99 : vector<64x512xi1>, vector<64x512xf32>
    %add3A_101 = arith.addf %add3A_92, %select_n3A_100 : vector<64x512xf32>
    %slice3A_102 = vector.extract_strided_slice %mul3A_10 {offsets = [9, 0], sizes = [1, 512], strides = [1, 1]} : vector<64x512xf32> to vector<1x512xf32>
    %gt3A_103 = vector.broadcast %slice3A_102 : vector<1x512xf32> to vector<64x512xf32>
    %gt3A_104 = arith.cmpf ogt, %gt3A_103, %mul3A_10 : vector<64x512xf32>
    %jit3A_105 = arith.constant 0.000000e+00 : f32
    %broadcast_in_dim3A_106 = vector.shape_cast %slice3A_102 : vector<1x512xf32> to vector<1x512xf32>
    %broadcast_in_dim3A_107 = vector.broadcast %broadcast_in_dim3A_106 : vector<1x512xf32> to vector<64x512xf32>
    %broadcast_in_dim3A_108 = vector.broadcast %jit3A_105 : f32 to vector<64x512xf32>
    %select_n3A_109 = arith.select %gt3A_104, %broadcast_in_dim3A_107, %broadcast_in_dim3A_108 : vector<64x512xi1>, vector<64x512xf32>
    %add3A_110 = arith.addf %add3A_101, %select_n3A_109 : vector<64x512xf32>
    %slice3A_111 = vector.extract_strided_slice %mul3A_10 {offsets = [10, 0], sizes = [1, 512], strides = [1, 1]} : vector<64x512xf32> to vector<1x512xf32>
    %gt3A_112 = vector.broadcast %slice3A_111 : vector<1x512xf32> to vector<64x512xf32>
    %gt3A_113 = arith.cmpf ogt, %gt3A_112, %mul3A_10 : vector<64x512xf32>
    %jit3A_114 = arith.constant 0.000000e+00 : f32
    %broadcast_in_dim3A_115 = vector.shape_cast %slice3A_111 : vector<1x512xf32> to vector<1x512xf32>
    %broadcast_in_dim3A_116 = vector.broadcast %broadcast_in_dim3A_115 : vector<1x512xf32> to vector<64x512xf32>
    %broadcast_in_dim3A_117 = vector.broadcast %jit3A_114 : f32 to vector<64x512xf32>
    %select_n3A_118 = arith.select %gt3A_113, %broadcast_in_dim3A_116, %broadcast_in_dim3A_117 : vector<64x512xi1>, vector<64x512xf32>
    %add3A_119 = arith.addf %add3A_110, %select_n3A_118 : vector<64x512xf32>
    %slice3A_120 = vector.extract_strided_slice %mul3A_10 {offsets = [11, 0], sizes = [1, 512], strides = [1, 1]} : vector<64x512xf32> to vector<1x512xf32>
    %gt3A_121 = vector.broadcast %slice3A_120 : vector<1x512xf32> to vector<64x512xf32>
    %gt3A_122 = arith.cmpf ogt, %gt3A_121, %mul3A_10 : vector<64x512xf32>
    %jit3A_123 = arith.constant 0.000000e+00 : f32
    %broadcast_in_dim3A_124 = vector.shape_cast %slice3A_120 : vector<1x512xf32> to vector<1x512xf32>
    %broadcast_in_dim3A_125 = vector.broadcast %broadcast_in_dim3A_124 : vector<1x512xf32> to vector<64x512xf32>
    %broadcast_in_dim3A_126 = vector.broadcast %jit3A_123 : f32 to vector<64x512xf32>
    %select_n3A_127 = arith.select %gt3A_122, %broadcast_in_dim3A_125, %broadcast_in_dim3A_126 : vector<64x512xi1>, vector<64x512xf32>
    %add3A_128 = arith.addf %add3A_119, %select_n3A_127 : vector<64x512xf32>
    %slice3A_129 = vector.extract_strided_slice %mul3A_10 {offsets = [12, 0], sizes = [1, 512], strides = [1, 1]} : vector<64x512xf32> to vector<1x512xf32>
    %gt3A_130 = vector.broadcast %slice3A_129 : vector<1x512xf32> to vector<64x512xf32>
    %gt3A_131 = arith.cmpf ogt, %gt3A_130, %mul3A_10 : vector<64x512xf32>
    %jit3A_132 = arith.constant 0.000000e+00 : f32
    %broadcast_in_dim3A_133 = vector.shape_cast %slice3A_129 : vector<1x512xf32> to vector<1x512xf32>
    %broadcast_in_dim3A_134 = vector.broadcast %broadcast_in_dim3A_133 : vector<1x512xf32> to vector<64x512xf32>
    %broadcast_in_dim3A_135 = vector.broadcast %jit3A_132 : f32 to vector<64x512xf32>
    %select_n3A_136 = arith.select %gt3A_131, %broadcast_in_dim3A_134, %broadcast_in_dim3A_135 : vector<64x512xi1>, vector<64x512xf32>
    %add3A_137 = arith.addf %add3A_128, %select_n3A_136 : vector<64x512xf32>
    %slice3A_138 = vector.extract_strided_slice %mul3A_10 {offsets = [13, 0], sizes = [1, 512], strides = [1, 1]} : vector<64x512xf32> to vector<1x512xf32>
    %gt3A_139 = vector.broadcast %slice3A_138 : vector<1x512xf32> to vector<64x512xf32>
    %gt3A_140 = arith.cmpf ogt, %gt3A_139, %mul3A_10 : vector<64x512xf32>
    %jit3A_141 = arith.constant 0.000000e+00 : f32
    %broadcast_in_dim3A_142 = vector.shape_cast %slice3A_138 : vector<1x512xf32> to vector<1x512xf32>
    %broadcast_in_dim3A_143 = vector.broadcast %broadcast_in_dim3A_142 : vector<1x512xf32> to vector<64x512xf32>
    %broadcast_in_dim3A_144 = vector.broadcast %jit3A_141 : f32 to vector<64x512xf32>
    %select_n3A_145 = arith.select %gt3A_140, %broadcast_in_dim3A_143, %broadcast_in_dim3A_144 : vector<64x512xi1>, vector<64x512xf32>
    %add3A_146 = arith.addf %add3A_137, %select_n3A_145 : vector<64x512xf32>
    %slice3A_147 = vector.extract_strided_slice %mul3A_10 {offsets = [14, 0], sizes = [1, 512], strides = [1, 1]} : vector<64x512xf32> to vector<1x512xf32>
    %gt3A_148 = vector.broadcast %slice3A_147 : vector<1x512xf32> to vector<64x512xf32>
    %gt3A_149 = arith.cmpf ogt, %gt3A_148, %mul3A_10 : vector<64x512xf32>
    %jit3A_150 = arith.constant 0.000000e+00 : f32
    %broadcast_in_dim3A_151 = vector.shape_cast %slice3A_147 : vector<1x512xf32> to vector<1x512xf32>
    %broadcast_in_dim3A_152 = vector.broadcast %broadcast_in_dim3A_151 : vector<1x512xf32> to vector<64x512xf32>
    %broadcast_in_dim3A_153 = vector.broadcast %jit3A_150 : f32 to vector<64x512xf32>
    %select_n3A_154 = arith.select %gt3A_149, %broadcast_in_dim3A_152, %broadcast_in_dim3A_153 : vector<64x512xi1>, vector<64x512xf32>
    %add3A_155 = arith.addf %add3A_146, %select_n3A_154 : vector<64x512xf32>
    %slice3A_156 = vector.extract_strided_slice %mul3A_10 {offsets = [15, 0], sizes = [1, 512], strides = [1, 1]} : vector<64x512xf32> to vector<1x512xf32>
    %gt3A_157 = vector.broadcast %slice3A_156 : vector<1x512xf32> to vector<64x512xf32>
    %gt3A_158 = arith.cmpf ogt, %gt3A_157, %mul3A_10 : vector<64x512xf32>
    %jit3A_159 = arith.constant 0.000000e+00 : f32
    %broadcast_in_dim3A_160 = vector.shape_cast %slice3A_156 : vector<1x512xf32> to vector<1x512xf32>
    %broadcast_in_dim3A_161 = vector.broadcast %broadcast_in_dim3A_160 : vector<1x512xf32> to vector<64x512xf32>
    %broadcast_in_dim3A_162 = vector.broadcast %jit3A_159 : f32 to vector<64x512xf32>
    %select_n3A_163 = arith.select %gt3A_158, %broadcast_in_dim3A_161, %broadcast_in_dim3A_162 : vector<64x512xi1>, vector<64x512xf32>
    %add3A_164 = arith.addf %add3A_155, %select_n3A_163 : vector<64x512xf32>
    %slice3A_165 = vector.extract_strided_slice %mul3A_10 {offsets = [16, 0], sizes = [1, 512], strides = [1, 1]} : vector<64x512xf32> to vector<1x512xf32>
    %gt3A_166 = vector.broadcast %slice3A_165 : vector<1x512xf32> to vector<64x512xf32>
    %gt3A_167 = arith.cmpf ogt, %gt3A_166, %mul3A_10 : vector<64x512xf32>
    %jit3A_168 = arith.constant 0.000000e+00 : f32
    %broadcast_in_dim3A_169 = vector.shape_cast %slice3A_165 : vector<1x512xf32> to vector<1x512xf32>
    %broadcast_in_dim3A_170 = vector.broadcast %broadcast_in_dim3A_169 : vector<1x512xf32> to vector<64x512xf32>
    %broadcast_in_dim3A_171 = vector.broadcast %jit3A_168 : f32 to vector<64x512xf32>
    %select_n3A_172 = arith.select %gt3A_167, %broadcast_in_dim3A_170, %broadcast_in_dim3A_171 : vector<64x512xi1>, vector<64x512xf32>
    %add3A_173 = arith.addf %add3A_164, %select_n3A_172 : vector<64x512xf32>
    %slice3A_174 = vector.extract_strided_slice %mul3A_10 {offsets = [17, 0], sizes = [1, 512], strides = [1, 1]} : vector<64x512xf32> to vector<1x512xf32>
    %gt3A_175 = vector.broadcast %slice3A_174 : vector<1x512xf32> to vector<64x512xf32>
    %gt3A_176 = arith.cmpf ogt, %gt3A_175, %mul3A_10 : vector<64x512xf32>
    %jit3A_177 = arith.constant 0.000000e+00 : f32
    %broadcast_in_dim3A_178 = vector.shape_cast %slice3A_174 : vector<1x512xf32> to vector<1x512xf32>
    %broadcast_in_dim3A_179 = vector.broadcast %broadcast_in_dim3A_178 : vector<1x512xf32> to vector<64x512xf32>
    %broadcast_in_dim3A_180 = vector.broadcast %jit3A_177 : f32 to vector<64x512xf32>
    %select_n3A_181 = arith.select %gt3A_176, %broadcast_in_dim3A_179, %broadcast_in_dim3A_180 : vector<64x512xi1>, vector<64x512xf32>
    %add3A_182 = arith.addf %add3A_173, %select_n3A_181 : vector<64x512xf32>
    %slice3A_183 = vector.extract_strided_slice %mul3A_10 {offsets = [18, 0], sizes = [1, 512], strides = [1, 1]} : vector<64x512xf32> to vector<1x512xf32>
    %gt3A_184 = vector.broadcast %slice3A_183 : vector<1x512xf32> to vector<64x512xf32>
    %gt3A_185 = arith.cmpf ogt, %gt3A_184, %mul3A_10 : vector<64x512xf32>
    %jit3A_186 = arith.constant 0.000000e+00 : f32
    %broadcast_in_dim3A_187 = vector.shape_cast %slice3A_183 : vector<1x512xf32> to vector<1x512xf32>
    %broadcast_in_dim3A_188 = vector.broadcast %broadcast_in_dim3A_187 : vector<1x512xf32> to vector<64x512xf32>
    %broadcast_in_dim3A_189 = vector.broadcast %jit3A_186 : f32 to vector<64x512xf32>
    %select_n3A_190 = arith.select %gt3A_185, %broadcast_in_dim3A_188, %broadcast_in_dim3A_189 : vector<64x512xi1>, vector<64x512xf32>
    %add3A_191 = arith.addf %add3A_182, %select_n3A_190 : vector<64x512xf32>
    %slice3A_192 = vector.extract_strided_slice %mul3A_10 {offsets = [19, 0], sizes = [1, 512], strides = [1, 1]} : vector<64x512xf32> to vector<1x512xf32>
    %gt3A_193 = vector.broadcast %slice3A_192 : vector<1x512xf32> to vector<64x512xf32>
    %gt3A_194 = arith.cmpf ogt, %gt3A_193, %mul3A_10 : vector<64x512xf32>
    %jit3A_195 = arith.constant 0.000000e+00 : f32
    %broadcast_in_dim3A_196 = vector.shape_cast %slice3A_192 : vector<1x512xf32> to vector<1x512xf32>
    %broadcast_in_dim3A_197 = vector.broadcast %broadcast_in_dim3A_196 : vector<1x512xf32> to vector<64x512xf32>
    %broadcast_in_dim3A_198 = vector.broadcast %jit3A_195 : f32 to vector<64x512xf32>
    %select_n3A_199 = arith.select %gt3A_194, %broadcast_in_dim3A_197, %broadcast_in_dim3A_198 : vector<64x512xi1>, vector<64x512xf32>
    %add3A_200 = arith.addf %add3A_191, %select_n3A_199 : vector<64x512xf32>
    %slice3A_201 = vector.extract_strided_slice %mul3A_10 {offsets = [20, 0], sizes = [1, 512], strides = [1, 1]} : vector<64x512xf32> to vector<1x512xf32>
    %gt3A_202 = vector.broadcast %slice3A_201 : vector<1x512xf32> to vector<64x512xf32>
    %gt3A_203 = arith.cmpf ogt, %gt3A_202, %mul3A_10 : vector<64x512xf32>
    %jit3A_204 = arith.constant 0.000000e+00 : f32
    %broadcast_in_dim3A_205 = vector.shape_cast %slice3A_201 : vector<1x512xf32> to vector<1x512xf32>
    %broadcast_in_dim3A_206 = vector.broadcast %broadcast_in_dim3A_205 : vector<1x512xf32> to vector<64x512xf32>
    %broadcast_in_dim3A_207 = vector.broadcast %jit3A_204 : f32 to vector<64x512xf32>
    %select_n3A_208 = arith.select %gt3A_203, %broadcast_in_dim3A_206, %broadcast_in_dim3A_207 : vector<64x512xi1>, vector<64x512xf32>
    %add3A_209 = arith.addf %add3A_200, %select_n3A_208 : vector<64x512xf32>
    %slice3A_210 = vector.extract_strided_slice %mul3A_10 {offsets = [21, 0], sizes = [1, 512], strides = [1, 1]} : vector<64x512xf32> to vector<1x512xf32>
    %gt3A_211 = vector.broadcast %slice3A_210 : vector<1x512xf32> to vector<64x512xf32>
    %gt3A_212 = arith.cmpf ogt, %gt3A_211, %mul3A_10 : vector<64x512xf32>
    %jit3A_213 = arith.constant 0.000000e+00 : f32
    %broadcast_in_dim3A_214 = vector.shape_cast %slice3A_210 : vector<1x512xf32> to vector<1x512xf32>
    %broadcast_in_dim3A_215 = vector.broadcast %broadcast_in_dim3A_214 : vector<1x512xf32> to vector<64x512xf32>
    %broadcast_in_dim3A_216 = vector.broadcast %jit3A_213 : f32 to vector<64x512xf32>
    %select_n3A_217 = arith.select %gt3A_212, %broadcast_in_dim3A_215, %broadcast_in_dim3A_216 : vector<64x512xi1>, vector<64x512xf32>
    %add3A_218 = arith.addf %add3A_209, %select_n3A_217 : vector<64x512xf32>
    %slice3A_219 = vector.extract_strided_slice %mul3A_10 {offsets = [22, 0], sizes = [1, 512], strides = [1, 1]} : vector<64x512xf32> to vector<1x512xf32>
    %gt3A_220 = vector.broadcast %slice3A_219 : vector<1x512xf32> to vector<64x512xf32>
    %gt3A_221 = arith.cmpf ogt, %gt3A_220, %mul3A_10 : vector<64x512xf32>
    %jit3A_222 = arith.constant 0.000000e+00 : f32
    %broadcast_in_dim3A_223 = vector.shape_cast %slice3A_219 : vector<1x512xf32> to vector<1x512xf32>
    %broadcast_in_dim3A_224 = vector.broadcast %broadcast_in_dim3A_223 : vector<1x512xf32> to vector<64x512xf32>
    %broadcast_in_dim3A_225 = vector.broadcast %jit3A_222 : f32 to vector<64x512xf32>
    %select_n3A_226 = arith.select %gt3A_221, %broadcast_in_dim3A_224, %broadcast_in_dim3A_225 : vector<64x512xi1>, vector<64x512xf32>
    %add3A_227 = arith.addf %add3A_218, %select_n3A_226 : vector<64x512xf32>
    %slice3A_228 = vector.extract_strided_slice %mul3A_10 {offsets = [23, 0], sizes = [1, 512], strides = [1, 1]} : vector<64x512xf32> to vector<1x512xf32>
    %gt3A_229 = vector.broadcast %slice3A_228 : vector<1x512xf32> to vector<64x512xf32>
    %gt3A_230 = arith.cmpf ogt, %gt3A_229, %mul3A_10 : vector<64x512xf32>
    %jit3A_231 = arith.constant 0.000000e+00 : f32
    %broadcast_in_dim3A_232 = vector.shape_cast %slice3A_228 : vector<1x512xf32> to vector<1x512xf32>
    %broadcast_in_dim3A_233 = vector.broadcast %broadcast_in_dim3A_232 : vector<1x512xf32> to vector<64x512xf32>
    %broadcast_in_dim3A_234 = vector.broadcast %jit3A_231 : f32 to vector<64x512xf32>
    %select_n3A_235 = arith.select %gt3A_230, %broadcast_in_dim3A_233, %broadcast_in_dim3A_234 : vector<64x512xi1>, vector<64x512xf32>
    %add3A_236 = arith.addf %add3A_227, %select_n3A_235 : vector<64x512xf32>
    %slice3A_237 = vector.extract_strided_slice %mul3A_10 {offsets = [24, 0], sizes = [1, 512], strides = [1, 1]} : vector<64x512xf32> to vector<1x512xf32>
    %gt3A_238 = vector.broadcast %slice3A_237 : vector<1x512xf32> to vector<64x512xf32>
    %gt3A_239 = arith.cmpf ogt, %gt3A_238, %mul3A_10 : vector<64x512xf32>
    %jit3A_240 = arith.constant 0.000000e+00 : f32
    %broadcast_in_dim3A_241 = vector.shape_cast %slice3A_237 : vector<1x512xf32> to vector<1x512xf32>
    %broadcast_in_dim3A_242 = vector.broadcast %broadcast_in_dim3A_241 : vector<1x512xf32> to vector<64x512xf32>
    %broadcast_in_dim3A_243 = vector.broadcast %jit3A_240 : f32 to vector<64x512xf32>
    %select_n3A_244 = arith.select %gt3A_239, %broadcast_in_dim3A_242, %broadcast_in_dim3A_243 : vector<64x512xi1>, vector<64x512xf32>
    %add3A_245 = arith.addf %add3A_236, %select_n3A_244 : vector<64x512xf32>
    %slice3A_246 = vector.extract_strided_slice %mul3A_10 {offsets = [25, 0], sizes = [1, 512], strides = [1, 1]} : vector<64x512xf32> to vector<1x512xf32>
    %gt3A_247 = vector.broadcast %slice3A_246 : vector<1x512xf32> to vector<64x512xf32>
    %gt3A_248 = arith.cmpf ogt, %gt3A_247, %mul3A_10 : vector<64x512xf32>
    %jit3A_249 = arith.constant 0.000000e+00 : f32
    %broadcast_in_dim3A_250 = vector.shape_cast %slice3A_246 : vector<1x512xf32> to vector<1x512xf32>
    %broadcast_in_dim3A_251 = vector.broadcast %broadcast_in_dim3A_250 : vector<1x512xf32> to vector<64x512xf32>
    %broadcast_in_dim3A_252 = vector.broadcast %jit3A_249 : f32 to vector<64x512xf32>
    %select_n3A_253 = arith.select %gt3A_248, %broadcast_in_dim3A_251, %broadcast_in_dim3A_252 : vector<64x512xi1>, vector<64x512xf32>
    %add3A_254 = arith.addf %add3A_245, %select_n3A_253 : vector<64x512xf32>
    %slice3A_255 = vector.extract_strided_slice %mul3A_10 {offsets = [26, 0], sizes = [1, 512], strides = [1, 1]} : vector<64x512xf32> to vector<1x512xf32>
    %gt3A_256 = vector.broadcast %slice3A_255 : vector<1x512xf32> to vector<64x512xf32>
    %gt3A_257 = arith.cmpf ogt, %gt3A_256, %mul3A_10 : vector<64x512xf32>
    %jit3A_258 = arith.constant 0.000000e+00 : f32
    %broadcast_in_dim3A_259 = vector.shape_cast %slice3A_255 : vector<1x512xf32> to vector<1x512xf32>
    %broadcast_in_dim3A_260 = vector.broadcast %broadcast_in_dim3A_259 : vector<1x512xf32> to vector<64x512xf32>
    %broadcast_in_dim3A_261 = vector.broadcast %jit3A_258 : f32 to vector<64x512xf32>
    %select_n3A_262 = arith.select %gt3A_257, %broadcast_in_dim3A_260, %broadcast_in_dim3A_261 : vector<64x512xi1>, vector<64x512xf32>
    %add3A_263 = arith.addf %add3A_254, %select_n3A_262 : vector<64x512xf32>
    %slice3A_264 = vector.extract_strided_slice %mul3A_10 {offsets = [27, 0], sizes = [1, 512], strides = [1, 1]} : vector<64x512xf32> to vector<1x512xf32>
    %gt3A_265 = vector.broadcast %slice3A_264 : vector<1x512xf32> to vector<64x512xf32>
    %gt3A_266 = arith.cmpf ogt, %gt3A_265, %mul3A_10 : vector<64x512xf32>
    %jit3A_267 = arith.constant 0.000000e+00 : f32
    %broadcast_in_dim3A_268 = vector.shape_cast %slice3A_264 : vector<1x512xf32> to vector<1x512xf32>
    %broadcast_in_dim3A_269 = vector.broadcast %broadcast_in_dim3A_268 : vector<1x512xf32> to vector<64x512xf32>
    %broadcast_in_dim3A_270 = vector.broadcast %jit3A_267 : f32 to vector<64x512xf32>
    %select_n3A_271 = arith.select %gt3A_266, %broadcast_in_dim3A_269, %broadcast_in_dim3A_270 : vector<64x512xi1>, vector<64x512xf32>
    %add3A_272 = arith.addf %add3A_263, %select_n3A_271 : vector<64x512xf32>
    %slice3A_273 = vector.extract_strided_slice %mul3A_10 {offsets = [28, 0], sizes = [1, 512], strides = [1, 1]} : vector<64x512xf32> to vector<1x512xf32>
    %gt3A_274 = vector.broadcast %slice3A_273 : vector<1x512xf32> to vector<64x512xf32>
    %gt3A_275 = arith.cmpf ogt, %gt3A_274, %mul3A_10 : vector<64x512xf32>
    %jit3A_276 = arith.constant 0.000000e+00 : f32
    %broadcast_in_dim3A_277 = vector.shape_cast %slice3A_273 : vector<1x512xf32> to vector<1x512xf32>
    %broadcast_in_dim3A_278 = vector.broadcast %broadcast_in_dim3A_277 : vector<1x512xf32> to vector<64x512xf32>
    %broadcast_in_dim3A_279 = vector.broadcast %jit3A_276 : f32 to vector<64x512xf32>
    %select_n3A_280 = arith.select %gt3A_275, %broadcast_in_dim3A_278, %broadcast_in_dim3A_279 : vector<64x512xi1>, vector<64x512xf32>
    %add3A_281 = arith.addf %add3A_272, %select_n3A_280 : vector<64x512xf32>
    %slice3A_282 = vector.extract_strided_slice %mul3A_10 {offsets = [29, 0], sizes = [1, 512], strides = [1, 1]} : vector<64x512xf32> to vector<1x512xf32>
    %gt3A_283 = vector.broadcast %slice3A_282 : vector<1x512xf32> to vector<64x512xf32>
    %gt3A_284 = arith.cmpf ogt, %gt3A_283, %mul3A_10 : vector<64x512xf32>
    %jit3A_285 = arith.constant 0.000000e+00 : f32
    %broadcast_in_dim3A_286 = vector.shape_cast %slice3A_282 : vector<1x512xf32> to vector<1x512xf32>
    %broadcast_in_dim3A_287 = vector.broadcast %broadcast_in_dim3A_286 : vector<1x512xf32> to vector<64x512xf32>
    %broadcast_in_dim3A_288 = vector.broadcast %jit3A_285 : f32 to vector<64x512xf32>
    %select_n3A_289 = arith.select %gt3A_284, %broadcast_in_dim3A_287, %broadcast_in_dim3A_288 : vector<64x512xi1>, vector<64x512xf32>
    %add3A_290 = arith.addf %add3A_281, %select_n3A_289 : vector<64x512xf32>
    %slice3A_291 = vector.extract_strided_slice %mul3A_10 {offsets = [30, 0], sizes = [1, 512], strides = [1, 1]} : vector<64x512xf32> to vector<1x512xf32>
    %gt3A_292 = vector.broadcast %slice3A_291 : vector<1x512xf32> to vector<64x512xf32>
    %gt3A_293 = arith.cmpf ogt, %gt3A_292, %mul3A_10 : vector<64x512xf32>
    %jit3A_294 = arith.constant 0.000000e+00 : f32
    %broadcast_in_dim3A_295 = vector.shape_cast %slice3A_291 : vector<1x512xf32> to vector<1x512xf32>
    %broadcast_in_dim3A_296 = vector.broadcast %broadcast_in_dim3A_295 : vector<1x512xf32> to vector<64x512xf32>
    %broadcast_in_dim3A_297 = vector.broadcast %jit3A_294 : f32 to vector<64x512xf32>
    %select_n3A_298 = arith.select %gt3A_293, %broadcast_in_dim3A_296, %broadcast_in_dim3A_297 : vector<64x512xi1>, vector<64x512xf32>
    %add3A_299 = arith.addf %add3A_290, %select_n3A_298 : vector<64x512xf32>
    %slice3A_300 = vector.extract_strided_slice %mul3A_10 {offsets = [31, 0], sizes = [1, 512], strides = [1, 1]} : vector<64x512xf32> to vector<1x512xf32>
    %gt3A_301 = vector.broadcast %slice3A_300 : vector<1x512xf32> to vector<64x512xf32>
    %gt3A_302 = arith.cmpf ogt, %gt3A_301, %mul3A_10 : vector<64x512xf32>
    %jit3A_303 = arith.constant 0.000000e+00 : f32
    %broadcast_in_dim3A_304 = vector.shape_cast %slice3A_300 : vector<1x512xf32> to vector<1x512xf32>
    %broadcast_in_dim3A_305 = vector.broadcast %broadcast_in_dim3A_304 : vector<1x512xf32> to vector<64x512xf32>
    %broadcast_in_dim3A_306 = vector.broadcast %jit3A_303 : f32 to vector<64x512xf32>
    %select_n3A_307 = arith.select %gt3A_302, %broadcast_in_dim3A_305, %broadcast_in_dim3A_306 : vector<64x512xi1>, vector<64x512xf32>
    %add3A_308 = arith.addf %add3A_299, %select_n3A_307 : vector<64x512xf32>
    %slice3A_309 = vector.extract_strided_slice %mul3A_10 {offsets = [32, 0], sizes = [1, 512], strides = [1, 1]} : vector<64x512xf32> to vector<1x512xf32>
    %gt3A_310 = vector.broadcast %slice3A_309 : vector<1x512xf32> to vector<64x512xf32>
    %gt3A_311 = arith.cmpf ogt, %gt3A_310, %mul3A_10 : vector<64x512xf32>
    %jit3A_312 = arith.constant 0.000000e+00 : f32
    %broadcast_in_dim3A_313 = vector.shape_cast %slice3A_309 : vector<1x512xf32> to vector<1x512xf32>
    %broadcast_in_dim3A_314 = vector.broadcast %broadcast_in_dim3A_313 : vector<1x512xf32> to vector<64x512xf32>
    %broadcast_in_dim3A_315 = vector.broadcast %jit3A_312 : f32 to vector<64x512xf32>
    %select_n3A_316 = arith.select %gt3A_311, %broadcast_in_dim3A_314, %broadcast_in_dim3A_315 : vector<64x512xi1>, vector<64x512xf32>
    %add3A_317 = arith.addf %add3A_308, %select_n3A_316 : vector<64x512xf32>
    %slice3A_318 = vector.extract_strided_slice %mul3A_10 {offsets = [33, 0], sizes = [1, 512], strides = [1, 1]} : vector<64x512xf32> to vector<1x512xf32>
    %gt3A_319 = vector.broadcast %slice3A_318 : vector<1x512xf32> to vector<64x512xf32>
    %gt3A_320 = arith.cmpf ogt, %gt3A_319, %mul3A_10 : vector<64x512xf32>
    %jit3A_321 = arith.constant 0.000000e+00 : f32
    %broadcast_in_dim3A_322 = vector.shape_cast %slice3A_318 : vector<1x512xf32> to vector<1x512xf32>
    %broadcast_in_dim3A_323 = vector.broadcast %broadcast_in_dim3A_322 : vector<1x512xf32> to vector<64x512xf32>
    %broadcast_in_dim3A_324 = vector.broadcast %jit3A_321 : f32 to vector<64x512xf32>
    %select_n3A_325 = arith.select %gt3A_320, %broadcast_in_dim3A_323, %broadcast_in_dim3A_324 : vector<64x512xi1>, vector<64x512xf32>
    %add3A_326 = arith.addf %add3A_317, %select_n3A_325 : vector<64x512xf32>
    %slice3A_327 = vector.extract_strided_slice %mul3A_10 {offsets = [34, 0], sizes = [1, 512], strides = [1, 1]} : vector<64x512xf32> to vector<1x512xf32>
    %gt3A_328 = vector.broadcast %slice3A_327 : vector<1x512xf32> to vector<64x512xf32>
    %gt3A_329 = arith.cmpf ogt, %gt3A_328, %mul3A_10 : vector<64x512xf32>
    %jit3A_330 = arith.constant 0.000000e+00 : f32
    %broadcast_in_dim3A_331 = vector.shape_cast %slice3A_327 : vector<1x512xf32> to vector<1x512xf32>
    %broadcast_in_dim3A_332 = vector.broadcast %broadcast_in_dim3A_331 : vector<1x512xf32> to vector<64x512xf32>
    %broadcast_in_dim3A_333 = vector.broadcast %jit3A_330 : f32 to vector<64x512xf32>
    %select_n3A_334 = arith.select %gt3A_329, %broadcast_in_dim3A_332, %broadcast_in_dim3A_333 : vector<64x512xi1>, vector<64x512xf32>
    %add3A_335 = arith.addf %add3A_326, %select_n3A_334 : vector<64x512xf32>
    %slice3A_336 = vector.extract_strided_slice %mul3A_10 {offsets = [35, 0], sizes = [1, 512], strides = [1, 1]} : vector<64x512xf32> to vector<1x512xf32>
    %gt3A_337 = vector.broadcast %slice3A_336 : vector<1x512xf32> to vector<64x512xf32>
    %gt3A_338 = arith.cmpf ogt, %gt3A_337, %mul3A_10 : vector<64x512xf32>
    %jit3A_339 = arith.constant 0.000000e+00 : f32
    %broadcast_in_dim3A_340 = vector.shape_cast %slice3A_336 : vector<1x512xf32> to vector<1x512xf32>
    %broadcast_in_dim3A_341 = vector.broadcast %broadcast_in_dim3A_340 : vector<1x512xf32> to vector<64x512xf32>
    %broadcast_in_dim3A_342 = vector.broadcast %jit3A_339 : f32 to vector<64x512xf32>
    %select_n3A_343 = arith.select %gt3A_338, %broadcast_in_dim3A_341, %broadcast_in_dim3A_342 : vector<64x512xi1>, vector<64x512xf32>
    %add3A_344 = arith.addf %add3A_335, %select_n3A_343 : vector<64x512xf32>
    %slice3A_345 = vector.extract_strided_slice %mul3A_10 {offsets = [36, 0], sizes = [1, 512], strides = [1, 1]} : vector<64x512xf32> to vector<1x512xf32>
    %gt3A_346 = vector.broadcast %slice3A_345 : vector<1x512xf32> to vector<64x512xf32>
    %gt3A_347 = arith.cmpf ogt, %gt3A_346, %mul3A_10 : vector<64x512xf32>
    %jit3A_348 = arith.constant 0.000000e+00 : f32
    %broadcast_in_dim3A_349 = vector.shape_cast %slice3A_345 : vector<1x512xf32> to vector<1x512xf32>
    %broadcast_in_dim3A_350 = vector.broadcast %broadcast_in_dim3A_349 : vector<1x512xf32> to vector<64x512xf32>
    %broadcast_in_dim3A_351 = vector.broadcast %jit3A_348 : f32 to vector<64x512xf32>
    %select_n3A_352 = arith.select %gt3A_347, %broadcast_in_dim3A_350, %broadcast_in_dim3A_351 : vector<64x512xi1>, vector<64x512xf32>
    %add3A_353 = arith.addf %add3A_344, %select_n3A_352 : vector<64x512xf32>
    %slice3A_354 = vector.extract_strided_slice %mul3A_10 {offsets = [37, 0], sizes = [1, 512], strides = [1, 1]} : vector<64x512xf32> to vector<1x512xf32>
    %gt3A_355 = vector.broadcast %slice3A_354 : vector<1x512xf32> to vector<64x512xf32>
    %gt3A_356 = arith.cmpf ogt, %gt3A_355, %mul3A_10 : vector<64x512xf32>
    %jit3A_357 = arith.constant 0.000000e+00 : f32
    %broadcast_in_dim3A_358 = vector.shape_cast %slice3A_354 : vector<1x512xf32> to vector<1x512xf32>
    %broadcast_in_dim3A_359 = vector.broadcast %broadcast_in_dim3A_358 : vector<1x512xf32> to vector<64x512xf32>
    %broadcast_in_dim3A_360 = vector.broadcast %jit3A_357 : f32 to vector<64x512xf32>
    %select_n3A_361 = arith.select %gt3A_356, %broadcast_in_dim3A_359, %broadcast_in_dim3A_360 : vector<64x512xi1>, vector<64x512xf32>
    %add3A_362 = arith.addf %add3A_353, %select_n3A_361 : vector<64x512xf32>
    %slice3A_363 = vector.extract_strided_slice %mul3A_10 {offsets = [38, 0], sizes = [1, 512], strides = [1, 1]} : vector<64x512xf32> to vector<1x512xf32>
    %gt3A_364 = vector.broadcast %slice3A_363 : vector<1x512xf32> to vector<64x512xf32>
    %gt3A_365 = arith.cmpf ogt, %gt3A_364, %mul3A_10 : vector<64x512xf32>
    %jit3A_366 = arith.constant 0.000000e+00 : f32
    %broadcast_in_dim3A_367 = vector.shape_cast %slice3A_363 : vector<1x512xf32> to vector<1x512xf32>
    %broadcast_in_dim3A_368 = vector.broadcast %broadcast_in_dim3A_367 : vector<1x512xf32> to vector<64x512xf32>
    %broadcast_in_dim3A_369 = vector.broadcast %jit3A_366 : f32 to vector<64x512xf32>
    %select_n3A_370 = arith.select %gt3A_365, %broadcast_in_dim3A_368, %broadcast_in_dim3A_369 : vector<64x512xi1>, vector<64x512xf32>
    %add3A_371 = arith.addf %add3A_362, %select_n3A_370 : vector<64x512xf32>
    %slice3A_372 = vector.extract_strided_slice %mul3A_10 {offsets = [39, 0], sizes = [1, 512], strides = [1, 1]} : vector<64x512xf32> to vector<1x512xf32>
    %gt3A_373 = vector.broadcast %slice3A_372 : vector<1x512xf32> to vector<64x512xf32>
    %gt3A_374 = arith.cmpf ogt, %gt3A_373, %mul3A_10 : vector<64x512xf32>
    %jit3A_375 = arith.constant 0.000000e+00 : f32
    %broadcast_in_dim3A_376 = vector.shape_cast %slice3A_372 : vector<1x512xf32> to vector<1x512xf32>
    %broadcast_in_dim3A_377 = vector.broadcast %broadcast_in_dim3A_376 : vector<1x512xf32> to vector<64x512xf32>
    %broadcast_in_dim3A_378 = vector.broadcast %jit3A_375 : f32 to vector<64x512xf32>
    %select_n3A_379 = arith.select %gt3A_374, %broadcast_in_dim3A_377, %broadcast_in_dim3A_378 : vector<64x512xi1>, vector<64x512xf32>
    %add3A_380 = arith.addf %add3A_371, %select_n3A_379 : vector<64x512xf32>
    %slice3A_381 = vector.extract_strided_slice %mul3A_10 {offsets = [40, 0], sizes = [1, 512], strides = [1, 1]} : vector<64x512xf32> to vector<1x512xf32>
    %gt3A_382 = vector.broadcast %slice3A_381 : vector<1x512xf32> to vector<64x512xf32>
    %gt3A_383 = arith.cmpf ogt, %gt3A_382, %mul3A_10 : vector<64x512xf32>
    %jit3A_384 = arith.constant 0.000000e+00 : f32
    %broadcast_in_dim3A_385 = vector.shape_cast %slice3A_381 : vector<1x512xf32> to vector<1x512xf32>
    %broadcast_in_dim3A_386 = vector.broadcast %broadcast_in_dim3A_385 : vector<1x512xf32> to vector<64x512xf32>
    %broadcast_in_dim3A_387 = vector.broadcast %jit3A_384 : f32 to vector<64x512xf32>
    %select_n3A_388 = arith.select %gt3A_383, %broadcast_in_dim3A_386, %broadcast_in_dim3A_387 : vector<64x512xi1>, vector<64x512xf32>
    %add3A_389 = arith.addf %add3A_380, %select_n3A_388 : vector<64x512xf32>
    %slice3A_390 = vector.extract_strided_slice %mul3A_10 {offsets = [41, 0], sizes = [1, 512], strides = [1, 1]} : vector<64x512xf32> to vector<1x512xf32>
    %gt3A_391 = vector.broadcast %slice3A_390 : vector<1x512xf32> to vector<64x512xf32>
    %gt3A_392 = arith.cmpf ogt, %gt3A_391, %mul3A_10 : vector<64x512xf32>
    %jit3A_393 = arith.constant 0.000000e+00 : f32
    %broadcast_in_dim3A_394 = vector.shape_cast %slice3A_390 : vector<1x512xf32> to vector<1x512xf32>
    %broadcast_in_dim3A_395 = vector.broadcast %broadcast_in_dim3A_394 : vector<1x512xf32> to vector<64x512xf32>
    %broadcast_in_dim3A_396 = vector.broadcast %jit3A_393 : f32 to vector<64x512xf32>
    %select_n3A_397 = arith.select %gt3A_392, %broadcast_in_dim3A_395, %broadcast_in_dim3A_396 : vector<64x512xi1>, vector<64x512xf32>
    %add3A_398 = arith.addf %add3A_389, %select_n3A_397 : vector<64x512xf32>
    %slice3A_399 = vector.extract_strided_slice %mul3A_10 {offsets = [42, 0], sizes = [1, 512], strides = [1, 1]} : vector<64x512xf32> to vector<1x512xf32>
    %gt3A_400 = vector.broadcast %slice3A_399 : vector<1x512xf32> to vector<64x512xf32>
    %gt3A_401 = arith.cmpf ogt, %gt3A_400, %mul3A_10 : vector<64x512xf32>
    %jit3A_402 = arith.constant 0.000000e+00 : f32
    %broadcast_in_dim3A_403 = vector.shape_cast %slice3A_399 : vector<1x512xf32> to vector<1x512xf32>
    %broadcast_in_dim3A_404 = vector.broadcast %broadcast_in_dim3A_403 : vector<1x512xf32> to vector<64x512xf32>
    %broadcast_in_dim3A_405 = vector.broadcast %jit3A_402 : f32 to vector<64x512xf32>
    %select_n3A_406 = arith.select %gt3A_401, %broadcast_in_dim3A_404, %broadcast_in_dim3A_405 : vector<64x512xi1>, vector<64x512xf32>
    %add3A_407 = arith.addf %add3A_398, %select_n3A_406 : vector<64x512xf32>
    %slice3A_408 = vector.extract_strided_slice %mul3A_10 {offsets = [43, 0], sizes = [1, 512], strides = [1, 1]} : vector<64x512xf32> to vector<1x512xf32>
    %gt3A_409 = vector.broadcast %slice3A_408 : vector<1x512xf32> to vector<64x512xf32>
    %gt3A_410 = arith.cmpf ogt, %gt3A_409, %mul3A_10 : vector<64x512xf32>
    %jit3A_411 = arith.constant 0.000000e+00 : f32
    %broadcast_in_dim3A_412 = vector.shape_cast %slice3A_408 : vector<1x512xf32> to vector<1x512xf32>
    %broadcast_in_dim3A_413 = vector.broadcast %broadcast_in_dim3A_412 : vector<1x512xf32> to vector<64x512xf32>
    %broadcast_in_dim3A_414 = vector.broadcast %jit3A_411 : f32 to vector<64x512xf32>
    %select_n3A_415 = arith.select %gt3A_410, %broadcast_in_dim3A_413, %broadcast_in_dim3A_414 : vector<64x512xi1>, vector<64x512xf32>
    %add3A_416 = arith.addf %add3A_407, %select_n3A_415 : vector<64x512xf32>
    %slice3A_417 = vector.extract_strided_slice %mul3A_10 {offsets = [44, 0], sizes = [1, 512], strides = [1, 1]} : vector<64x512xf32> to vector<1x512xf32>
    %gt3A_418 = vector.broadcast %slice3A_417 : vector<1x512xf32> to vector<64x512xf32>
    %gt3A_419 = arith.cmpf ogt, %gt3A_418, %mul3A_10 : vector<64x512xf32>
    %jit3A_420 = arith.constant 0.000000e+00 : f32
    %broadcast_in_dim3A_421 = vector.shape_cast %slice3A_417 : vector<1x512xf32> to vector<1x512xf32>
    %broadcast_in_dim3A_422 = vector.broadcast %broadcast_in_dim3A_421 : vector<1x512xf32> to vector<64x512xf32>
    %broadcast_in_dim3A_423 = vector.broadcast %jit3A_420 : f32 to vector<64x512xf32>
    %select_n3A_424 = arith.select %gt3A_419, %broadcast_in_dim3A_422, %broadcast_in_dim3A_423 : vector<64x512xi1>, vector<64x512xf32>
    %add3A_425 = arith.addf %add3A_416, %select_n3A_424 : vector<64x512xf32>
    %slice3A_426 = vector.extract_strided_slice %mul3A_10 {offsets = [45, 0], sizes = [1, 512], strides = [1, 1]} : vector<64x512xf32> to vector<1x512xf32>
    %gt3A_427 = vector.broadcast %slice3A_426 : vector<1x512xf32> to vector<64x512xf32>
    %gt3A_428 = arith.cmpf ogt, %gt3A_427, %mul3A_10 : vector<64x512xf32>
    %jit3A_429 = arith.constant 0.000000e+00 : f32
    %broadcast_in_dim3A_430 = vector.shape_cast %slice3A_426 : vector<1x512xf32> to vector<1x512xf32>
    %broadcast_in_dim3A_431 = vector.broadcast %broadcast_in_dim3A_430 : vector<1x512xf32> to vector<64x512xf32>
    %broadcast_in_dim3A_432 = vector.broadcast %jit3A_429 : f32 to vector<64x512xf32>
    %select_n3A_433 = arith.select %gt3A_428, %broadcast_in_dim3A_431, %broadcast_in_dim3A_432 : vector<64x512xi1>, vector<64x512xf32>
    %add3A_434 = arith.addf %add3A_425, %select_n3A_433 : vector<64x512xf32>
    %slice3A_435 = vector.extract_strided_slice %mul3A_10 {offsets = [46, 0], sizes = [1, 512], strides = [1, 1]} : vector<64x512xf32> to vector<1x512xf32>
    %gt3A_436 = vector.broadcast %slice3A_435 : vector<1x512xf32> to vector<64x512xf32>
    %gt3A_437 = arith.cmpf ogt, %gt3A_436, %mul3A_10 : vector<64x512xf32>
    %jit3A_438 = arith.constant 0.000000e+00 : f32
    %broadcast_in_dim3A_439 = vector.shape_cast %slice3A_435 : vector<1x512xf32> to vector<1x512xf32>
    %broadcast_in_dim3A_440 = vector.broadcast %broadcast_in_dim3A_439 : vector<1x512xf32> to vector<64x512xf32>
    %broadcast_in_dim3A_441 = vector.broadcast %jit3A_438 : f32 to vector<64x512xf32>
    %select_n3A_442 = arith.select %gt3A_437, %broadcast_in_dim3A_440, %broadcast_in_dim3A_441 : vector<64x512xi1>, vector<64x512xf32>
    %add3A_443 = arith.addf %add3A_434, %select_n3A_442 : vector<64x512xf32>
    %slice3A_444 = vector.extract_strided_slice %mul3A_10 {offsets = [47, 0], sizes = [1, 512], strides = [1, 1]} : vector<64x512xf32> to vector<1x512xf32>
    %gt3A_445 = vector.broadcast %slice3A_444 : vector<1x512xf32> to vector<64x512xf32>
    %gt3A_446 = arith.cmpf ogt, %gt3A_445, %mul3A_10 : vector<64x512xf32>
    %jit3A_447 = arith.constant 0.000000e+00 : f32
    %broadcast_in_dim3A_448 = vector.shape_cast %slice3A_444 : vector<1x512xf32> to vector<1x512xf32>
    %broadcast_in_dim3A_449 = vector.broadcast %broadcast_in_dim3A_448 : vector<1x512xf32> to vector<64x512xf32>
    %broadcast_in_dim3A_450 = vector.broadcast %jit3A_447 : f32 to vector<64x512xf32>
    %select_n3A_451 = arith.select %gt3A_446, %broadcast_in_dim3A_449, %broadcast_in_dim3A_450 : vector<64x512xi1>, vector<64x512xf32>
    %add3A_452 = arith.addf %add3A_443, %select_n3A_451 : vector<64x512xf32>
    %slice3A_453 = vector.extract_strided_slice %mul3A_10 {offsets = [48, 0], sizes = [1, 512], strides = [1, 1]} : vector<64x512xf32> to vector<1x512xf32>
    %gt3A_454 = vector.broadcast %slice3A_453 : vector<1x512xf32> to vector<64x512xf32>
    %gt3A_455 = arith.cmpf ogt, %gt3A_454, %mul3A_10 : vector<64x512xf32>
    %jit3A_456 = arith.constant 0.000000e+00 : f32
    %broadcast_in_dim3A_457 = vector.shape_cast %slice3A_453 : vector<1x512xf32> to vector<1x512xf32>
    %broadcast_in_dim3A_458 = vector.broadcast %broadcast_in_dim3A_457 : vector<1x512xf32> to vector<64x512xf32>
    %broadcast_in_dim3A_459 = vector.broadcast %jit3A_456 : f32 to vector<64x512xf32>
    %select_n3A_460 = arith.select %gt3A_455, %broadcast_in_dim3A_458, %broadcast_in_dim3A_459 : vector<64x512xi1>, vector<64x512xf32>
    %add3A_461 = arith.addf %add3A_452, %select_n3A_460 : vector<64x512xf32>
    %slice3A_462 = vector.extract_strided_slice %mul3A_10 {offsets = [49, 0], sizes = [1, 512], strides = [1, 1]} : vector<64x512xf32> to vector<1x512xf32>
    %gt3A_463 = vector.broadcast %slice3A_462 : vector<1x512xf32> to vector<64x512xf32>
    %gt3A_464 = arith.cmpf ogt, %gt3A_463, %mul3A_10 : vector<64x512xf32>
    %jit3A_465 = arith.constant 0.000000e+00 : f32
    %broadcast_in_dim3A_466 = vector.shape_cast %slice3A_462 : vector<1x512xf32> to vector<1x512xf32>
    %broadcast_in_dim3A_467 = vector.broadcast %broadcast_in_dim3A_466 : vector<1x512xf32> to vector<64x512xf32>
    %broadcast_in_dim3A_468 = vector.broadcast %jit3A_465 : f32 to vector<64x512xf32>
    %select_n3A_469 = arith.select %gt3A_464, %broadcast_in_dim3A_467, %broadcast_in_dim3A_468 : vector<64x512xi1>, vector<64x512xf32>
    %add3A_470 = arith.addf %add3A_461, %select_n3A_469 : vector<64x512xf32>
    %slice3A_471 = vector.extract_strided_slice %mul3A_10 {offsets = [50, 0], sizes = [1, 512], strides = [1, 1]} : vector<64x512xf32> to vector<1x512xf32>
    %gt3A_472 = vector.broadcast %slice3A_471 : vector<1x512xf32> to vector<64x512xf32>
    %gt3A_473 = arith.cmpf ogt, %gt3A_472, %mul3A_10 : vector<64x512xf32>
    %jit3A_474 = arith.constant 0.000000e+00 : f32
    %broadcast_in_dim3A_475 = vector.shape_cast %slice3A_471 : vector<1x512xf32> to vector<1x512xf32>
    %broadcast_in_dim3A_476 = vector.broadcast %broadcast_in_dim3A_475 : vector<1x512xf32> to vector<64x512xf32>
    %broadcast_in_dim3A_477 = vector.broadcast %jit3A_474 : f32 to vector<64x512xf32>
    %select_n3A_478 = arith.select %gt3A_473, %broadcast_in_dim3A_476, %broadcast_in_dim3A_477 : vector<64x512xi1>, vector<64x512xf32>
    %add3A_479 = arith.addf %add3A_470, %select_n3A_478 : vector<64x512xf32>
    %slice3A_480 = vector.extract_strided_slice %mul3A_10 {offsets = [51, 0], sizes = [1, 512], strides = [1, 1]} : vector<64x512xf32> to vector<1x512xf32>
    %gt3A_481 = vector.broadcast %slice3A_480 : vector<1x512xf32> to vector<64x512xf32>
    %gt3A_482 = arith.cmpf ogt, %gt3A_481, %mul3A_10 : vector<64x512xf32>
    %jit3A_483 = arith.constant 0.000000e+00 : f32
    %broadcast_in_dim3A_484 = vector.shape_cast %slice3A_480 : vector<1x512xf32> to vector<1x512xf32>
    %broadcast_in_dim3A_485 = vector.broadcast %broadcast_in_dim3A_484 : vector<1x512xf32> to vector<64x512xf32>
    %broadcast_in_dim3A_486 = vector.broadcast %jit3A_483 : f32 to vector<64x512xf32>
    %select_n3A_487 = arith.select %gt3A_482, %broadcast_in_dim3A_485, %broadcast_in_dim3A_486 : vector<64x512xi1>, vector<64x512xf32>
    %add3A_488 = arith.addf %add3A_479, %select_n3A_487 : vector<64x512xf32>
    %slice3A_489 = vector.extract_strided_slice %mul3A_10 {offsets = [52, 0], sizes = [1, 512], strides = [1, 1]} : vector<64x512xf32> to vector<1x512xf32>
    %gt3A_490 = vector.broadcast %slice3A_489 : vector<1x512xf32> to vector<64x512xf32>
    %gt3A_491 = arith.cmpf ogt, %gt3A_490, %mul3A_10 : vector<64x512xf32>
    %jit3A_492 = arith.constant 0.000000e+00 : f32
    %broadcast_in_dim3A_493 = vector.shape_cast %slice3A_489 : vector<1x512xf32> to vector<1x512xf32>
    %broadcast_in_dim3A_494 = vector.broadcast %broadcast_in_dim3A_493 : vector<1x512xf32> to vector<64x512xf32>
    %broadcast_in_dim3A_495 = vector.broadcast %jit3A_492 : f32 to vector<64x512xf32>
    %select_n3A_496 = arith.select %gt3A_491, %broadcast_in_dim3A_494, %broadcast_in_dim3A_495 : vector<64x512xi1>, vector<64x512xf32>
    %add3A_497 = arith.addf %add3A_488, %select_n3A_496 : vector<64x512xf32>
    %slice3A_498 = vector.extract_strided_slice %mul3A_10 {offsets = [53, 0], sizes = [1, 512], strides = [1, 1]} : vector<64x512xf32> to vector<1x512xf32>
    %gt3A_499 = vector.broadcast %slice3A_498 : vector<1x512xf32> to vector<64x512xf32>
    %gt3A_500 = arith.cmpf ogt, %gt3A_499, %mul3A_10 : vector<64x512xf32>
    %jit3A_501 = arith.constant 0.000000e+00 : f32
    %broadcast_in_dim3A_502 = vector.shape_cast %slice3A_498 : vector<1x512xf32> to vector<1x512xf32>
    %broadcast_in_dim3A_503 = vector.broadcast %broadcast_in_dim3A_502 : vector<1x512xf32> to vector<64x512xf32>
    %broadcast_in_dim3A_504 = vector.broadcast %jit3A_501 : f32 to vector<64x512xf32>
    %select_n3A_505 = arith.select %gt3A_500, %broadcast_in_dim3A_503, %broadcast_in_dim3A_504 : vector<64x512xi1>, vector<64x512xf32>
    %add3A_506 = arith.addf %add3A_497, %select_n3A_505 : vector<64x512xf32>
    %slice3A_507 = vector.extract_strided_slice %mul3A_10 {offsets = [54, 0], sizes = [1, 512], strides = [1, 1]} : vector<64x512xf32> to vector<1x512xf32>
    %gt3A_508 = vector.broadcast %slice3A_507 : vector<1x512xf32> to vector<64x512xf32>
    %gt3A_509 = arith.cmpf ogt, %gt3A_508, %mul3A_10 : vector<64x512xf32>
    %jit3A_510 = arith.constant 0.000000e+00 : f32
    %broadcast_in_dim3A_511 = vector.shape_cast %slice3A_507 : vector<1x512xf32> to vector<1x512xf32>
    %broadcast_in_dim3A_512 = vector.broadcast %broadcast_in_dim3A_511 : vector<1x512xf32> to vector<64x512xf32>
    %broadcast_in_dim3A_513 = vector.broadcast %jit3A_510 : f32 to vector<64x512xf32>
    %select_n3A_514 = arith.select %gt3A_509, %broadcast_in_dim3A_512, %broadcast_in_dim3A_513 : vector<64x512xi1>, vector<64x512xf32>
    %add3A_515 = arith.addf %add3A_506, %select_n3A_514 : vector<64x512xf32>
    %slice3A_516 = vector.extract_strided_slice %mul3A_10 {offsets = [55, 0], sizes = [1, 512], strides = [1, 1]} : vector<64x512xf32> to vector<1x512xf32>
    %gt3A_517 = vector.broadcast %slice3A_516 : vector<1x512xf32> to vector<64x512xf32>
    %gt3A_518 = arith.cmpf ogt, %gt3A_517, %mul3A_10 : vector<64x512xf32>
    %jit3A_519 = arith.constant 0.000000e+00 : f32
    %broadcast_in_dim3A_520 = vector.shape_cast %slice3A_516 : vector<1x512xf32> to vector<1x512xf32>
    %broadcast_in_dim3A_521 = vector.broadcast %broadcast_in_dim3A_520 : vector<1x512xf32> to vector<64x512xf32>
    %broadcast_in_dim3A_522 = vector.broadcast %jit3A_519 : f32 to vector<64x512xf32>
    %select_n3A_523 = arith.select %gt3A_518, %broadcast_in_dim3A_521, %broadcast_in_dim3A_522 : vector<64x512xi1>, vector<64x512xf32>
    %add3A_524 = arith.addf %add3A_515, %select_n3A_523 : vector<64x512xf32>
    %slice3A_525 = vector.extract_strided_slice %mul3A_10 {offsets = [56, 0], sizes = [1, 512], strides = [1, 1]} : vector<64x512xf32> to vector<1x512xf32>
    %gt3A_526 = vector.broadcast %slice3A_525 : vector<1x512xf32> to vector<64x512xf32>
    %gt3A_527 = arith.cmpf ogt, %gt3A_526, %mul3A_10 : vector<64x512xf32>
    %jit3A_528 = arith.constant 0.000000e+00 : f32
    %broadcast_in_dim3A_529 = vector.shape_cast %slice3A_525 : vector<1x512xf32> to vector<1x512xf32>
    %broadcast_in_dim3A_530 = vector.broadcast %broadcast_in_dim3A_529 : vector<1x512xf32> to vector<64x512xf32>
    %broadcast_in_dim3A_531 = vector.broadcast %jit3A_528 : f32 to vector<64x512xf32>
    %select_n3A_532 = arith.select %gt3A_527, %broadcast_in_dim3A_530, %broadcast_in_dim3A_531 : vector<64x512xi1>, vector<64x512xf32>
    %add3A_533 = arith.addf %add3A_524, %select_n3A_532 : vector<64x512xf32>
    %slice3A_534 = vector.extract_strided_slice %mul3A_10 {offsets = [57, 0], sizes = [1, 512], strides = [1, 1]} : vector<64x512xf32> to vector<1x512xf32>
    %gt3A_535 = vector.broadcast %slice3A_534 : vector<1x512xf32> to vector<64x512xf32>
    %gt3A_536 = arith.cmpf ogt, %gt3A_535, %mul3A_10 : vector<64x512xf32>
    %jit3A_537 = arith.constant 0.000000e+00 : f32
    %broadcast_in_dim3A_538 = vector.shape_cast %slice3A_534 : vector<1x512xf32> to vector<1x512xf32>
    %broadcast_in_dim3A_539 = vector.broadcast %broadcast_in_dim3A_538 : vector<1x512xf32> to vector<64x512xf32>
    %broadcast_in_dim3A_540 = vector.broadcast %jit3A_537 : f32 to vector<64x512xf32>
    %select_n3A_541 = arith.select %gt3A_536, %broadcast_in_dim3A_539, %broadcast_in_dim3A_540 : vector<64x512xi1>, vector<64x512xf32>
    %add3A_542 = arith.addf %add3A_533, %select_n3A_541 : vector<64x512xf32>
    %slice3A_543 = vector.extract_strided_slice %mul3A_10 {offsets = [58, 0], sizes = [1, 512], strides = [1, 1]} : vector<64x512xf32> to vector<1x512xf32>
    %gt3A_544 = vector.broadcast %slice3A_543 : vector<1x512xf32> to vector<64x512xf32>
    %gt3A_545 = arith.cmpf ogt, %gt3A_544, %mul3A_10 : vector<64x512xf32>
    %jit3A_546 = arith.constant 0.000000e+00 : f32
    %broadcast_in_dim3A_547 = vector.shape_cast %slice3A_543 : vector<1x512xf32> to vector<1x512xf32>
    %broadcast_in_dim3A_548 = vector.broadcast %broadcast_in_dim3A_547 : vector<1x512xf32> to vector<64x512xf32>
    %broadcast_in_dim3A_549 = vector.broadcast %jit3A_546 : f32 to vector<64x512xf32>
    %select_n3A_550 = arith.select %gt3A_545, %broadcast_in_dim3A_548, %broadcast_in_dim3A_549 : vector<64x512xi1>, vector<64x512xf32>
    %add3A_551 = arith.addf %add3A_542, %select_n3A_550 : vector<64x512xf32>
    %slice3A_552 = vector.extract_strided_slice %mul3A_10 {offsets = [59, 0], sizes = [1, 512], strides = [1, 1]} : vector<64x512xf32> to vector<1x512xf32>
    %gt3A_553 = vector.broadcast %slice3A_552 : vector<1x512xf32> to vector<64x512xf32>
    %gt3A_554 = arith.cmpf ogt, %gt3A_553, %mul3A_10 : vector<64x512xf32>
    %jit3A_555 = arith.constant 0.000000e+00 : f32
    %broadcast_in_dim3A_556 = vector.shape_cast %slice3A_552 : vector<1x512xf32> to vector<1x512xf32>
    %broadcast_in_dim3A_557 = vector.broadcast %broadcast_in_dim3A_556 : vector<1x512xf32> to vector<64x512xf32>
    %broadcast_in_dim3A_558 = vector.broadcast %jit3A_555 : f32 to vector<64x512xf32>
    %select_n3A_559 = arith.select %gt3A_554, %broadcast_in_dim3A_557, %broadcast_in_dim3A_558 : vector<64x512xi1>, vector<64x512xf32>
    %add3A_560 = arith.addf %add3A_551, %select_n3A_559 : vector<64x512xf32>
    %slice3A_561 = vector.extract_strided_slice %mul3A_10 {offsets = [60, 0], sizes = [1, 512], strides = [1, 1]} : vector<64x512xf32> to vector<1x512xf32>
    %gt3A_562 = vector.broadcast %slice3A_561 : vector<1x512xf32> to vector<64x512xf32>
    %gt3A_563 = arith.cmpf ogt, %gt3A_562, %mul3A_10 : vector<64x512xf32>
    %jit3A_564 = arith.constant 0.000000e+00 : f32
    %broadcast_in_dim3A_565 = vector.shape_cast %slice3A_561 : vector<1x512xf32> to vector<1x512xf32>
    %broadcast_in_dim3A_566 = vector.broadcast %broadcast_in_dim3A_565 : vector<1x512xf32> to vector<64x512xf32>
    %broadcast_in_dim3A_567 = vector.broadcast %jit3A_564 : f32 to vector<64x512xf32>
    %select_n3A_568 = arith.select %gt3A_563, %broadcast_in_dim3A_566, %broadcast_in_dim3A_567 : vector<64x512xi1>, vector<64x512xf32>
    %add3A_569 = arith.addf %add3A_560, %select_n3A_568 : vector<64x512xf32>
    %slice3A_570 = vector.extract_strided_slice %mul3A_10 {offsets = [61, 0], sizes = [1, 512], strides = [1, 1]} : vector<64x512xf32> to vector<1x512xf32>
    %gt3A_571 = vector.broadcast %slice3A_570 : vector<1x512xf32> to vector<64x512xf32>
    %gt3A_572 = arith.cmpf ogt, %gt3A_571, %mul3A_10 : vector<64x512xf32>
    %jit3A_573 = arith.constant 0.000000e+00 : f32
    %broadcast_in_dim3A_574 = vector.shape_cast %slice3A_570 : vector<1x512xf32> to vector<1x512xf32>
    %broadcast_in_dim3A_575 = vector.broadcast %broadcast_in_dim3A_574 : vector<1x512xf32> to vector<64x512xf32>
    %broadcast_in_dim3A_576 = vector.broadcast %jit3A_573 : f32 to vector<64x512xf32>
    %select_n3A_577 = arith.select %gt3A_572, %broadcast_in_dim3A_575, %broadcast_in_dim3A_576 : vector<64x512xi1>, vector<64x512xf32>
    %add3A_578 = arith.addf %add3A_569, %select_n3A_577 : vector<64x512xf32>
    %slice3A_579 = vector.extract_strided_slice %mul3A_10 {offsets = [62, 0], sizes = [1, 512], strides = [1, 1]} : vector<64x512xf32> to vector<1x512xf32>
    %gt3A_580 = vector.broadcast %slice3A_579 : vector<1x512xf32> to vector<64x512xf32>
    %gt3A_581 = arith.cmpf ogt, %gt3A_580, %mul3A_10 : vector<64x512xf32>
    %jit3A_582 = arith.constant 0.000000e+00 : f32
    %broadcast_in_dim3A_583 = vector.shape_cast %slice3A_579 : vector<1x512xf32> to vector<1x512xf32>
    %broadcast_in_dim3A_584 = vector.broadcast %broadcast_in_dim3A_583 : vector<1x512xf32> to vector<64x512xf32>
    %broadcast_in_dim3A_585 = vector.broadcast %jit3A_582 : f32 to vector<64x512xf32>
    %select_n3A_586 = arith.select %gt3A_581, %broadcast_in_dim3A_584, %broadcast_in_dim3A_585 : vector<64x512xi1>, vector<64x512xf32>
    %add3A_587 = arith.addf %add3A_578, %select_n3A_586 : vector<64x512xf32>
    %slice3A_588 = vector.extract_strided_slice %mul3A_10 {offsets = [63, 0], sizes = [1, 512], strides = [1, 1]} : vector<64x512xf32> to vector<1x512xf32>
    %gt3A_589 = vector.broadcast %slice3A_588 : vector<1x512xf32> to vector<64x512xf32>
    %gt3A_590 = arith.cmpf ogt, %gt3A_589, %mul3A_10 : vector<64x512xf32>
    %jit3A_591 = arith.constant 0.000000e+00 : f32
    %broadcast_in_dim3A_592 = vector.shape_cast %slice3A_588 : vector<1x512xf32> to vector<1x512xf32>
    %broadcast_in_dim3A_593 = vector.broadcast %broadcast_in_dim3A_592 : vector<1x512xf32> to vector<64x512xf32>
    %broadcast_in_dim3A_594 = vector.broadcast %jit3A_591 : f32 to vector<64x512xf32>
    %select_n3A_595 = arith.select %gt3A_590, %broadcast_in_dim3A_593, %broadcast_in_dim3A_594 : vector<64x512xi1>, vector<64x512xf32>
    %add3A_596 = arith.addf %add3A_587, %select_n3A_595 : vector<64x512xf32>
    %add3A_597 = arith.addf %add3A_596, %mul3A_10 : vector<64x512xf32>
    %le3A = arith.constant 7.500000e-01 : f32
    %le3A_598 = vector.broadcast %le3A : f32 to vector<64x512xf32>
    %le3A_599 = arith.cmpf ole, %add3A_597, %le3A_598 : vector<64x512xf32>
    %ge3A_600 = vector.broadcast %broadcast_in_dim3A_21 : vector<1x512xf32> to vector<64x512xf32>
    %ge3A_601 = arith.cmpf oge, %mul3A_10, %ge3A_600 : vector<64x512xf32>
    %or3A = arith.ori %le3A_599, %ge3A_601 : vector<64x512xi1>
    %or3A_602 = vector.broadcast %lt3A_16 : vector<1x512xi1> to vector<64x512xi1>
    %or3A_603 = arith.ori %or3A, %or3A_602 : vector<64x512xi1>
    %convert_element_type3A_604 = arith.extui %or3A_603 : vector<64x512xi1> to vector<64x512xi32>
    %convert_element_type3A_605 = arith.sitofp %convert_element_type3A_604 : vector<64x512xi32> to vector<64x512xf32>
    %mul3A_606 = arith.mulf %mul3A_10, %convert_element_type3A_605 : vector<64x512xf32>
    %get3A_607 = arith.constant 0 : index
    %get3A_608 = arith.constant 0 : index
    %get3A_609 = vector.load %arg2[%get3A_607, %get3A_608] : memref<64x1xf32, #tpu.memory_space<vmem>>, vector<64x1xf32>
    %reduce_sum3A_610 = arith.constant dense<0.000000e+00> : vector<64xf32>
    %reduce_sum3A_611 = vector.multi_reduction <add>, %mul3A_10, %reduce_sum3A_610 [1] : vector<64x512xf32> to vector<64xf32>
    %broadcast_in_dim3A_612 = vector.shape_cast %reduce_sum3A_611 : vector<64xf32> to vector<64x1xf32>
    %add3A_613 = arith.addf %get3A_609, %broadcast_in_dim3A_612 : vector<64x1xf32>
    %swap3A = arith.constant 0 : index
    %swap3A_614 = arith.constant 0 : index
    %swap3A_615 = vector.load %arg2[%swap3A, %swap3A_614] : memref<64x1xf32, #tpu.memory_space<vmem>>, vector<64x1xf32>
    tpu.vector_store %arg2[%swap3A, %swap3A_614], %add3A_613 {strides = array<i32>} : memref<64x1xf32, #tpu.memory_space<vmem>>, vector<64x1xf32>,
    %get3A_616 = arith.constant 0 : index
    %get3A_617 = arith.constant 0 : index
    %get3A_618 = vector.load %arg3[%get3A_616, %get3A_617] : memref<64x1xf32, #tpu.memory_space<vmem>>, vector<64x1xf32>
    %reduce_sum3A_619 = arith.constant dense<0.000000e+00> : vector<64xf32>
    %reduce_sum3A_620 = vector.multi_reduction <add>, %mul3A_606, %reduce_sum3A_619 [1] : vector<64x512xf32> to vector<64xf32>
    %broadcast_in_dim3A_621 = vector.shape_cast %reduce_sum3A_620 : vector<64xf32> to vector<64x1xf32>
    %add3A_622 = arith.addf %get3A_618, %broadcast_in_dim3A_621 : vector<64x1xf32>
    %swap3A_623 = arith.constant 0 : index
    %swap3A_624 = arith.constant 0 : index
    %swap3A_625 = vector.load %arg3[%swap3A_623, %swap3A_624] : memref<64x1xf32, #tpu.memory_space<vmem>>, vector<64x1xf32>
    tpu.vector_store %arg3[%swap3A_623, %swap3A_624], %add3A_622 {strides = array<i32>} : memref<64x1xf32, #tpu.memory_space<vmem>>, vector<64x1xf32>,
    %get3A_626 = arith.constant 0 : index
    %get3A_627 = arith.constant 0 : index
    %get3A_628 = vector.load %arg4[%get3A_626, %get3A_627] : memref<1x1xf32, #tpu.memory_space<vmem>>, vector<1x1xf32>
    %reduce_sum3A_629 = arith.constant dense<0.000000e+00> : vector<1xf32>
    %reduce_sum3A_630 = vector.multi_reduction <add>, %broadcast_in_dim3A_14, %reduce_sum3A_629 [1] : vector<1x512xf32> to vector<1xf32>
    %broadcast_in_dim3A_631 = vector.shape_cast %reduce_sum3A_630 : vector<1xf32> to vector<1x1xf32>
    %add3A_632 = arith.addf %get3A_628, %broadcast_in_dim3A_631 : vector<1x1xf32>
    %swap3A_633 = arith.constant 0 : index
    %swap3A_634 = arith.constant 0 : index
    %swap3A_635 = vector.load %arg4[%swap3A_633, %swap3A_634] : memref<1x1xf32, #tpu.memory_space<vmem>>, vector<1x1xf32>
    tpu.vector_store %arg4[%swap3A_633, %swap3A_634], %add3A_632 {strides = array<i32>} : memref<1x1xf32, #tpu.memory_space<vmem>>, vector<1x1xf32>,
    return
  }
  func.func @transform_0(%arg0: i32) -> (i32, i32) {
    %add3A = arith.constant 176 : i32
    %add3A_0 = arith.addi %arg0, %add3A : i32
    %c0_i32 = arith.constant 0 : i32
    %c0_i32_1 = arith.constant 0 : i32
    return %c0_i32, %add3A_0 : i32, i32
  }
  func.func @transform_1(%arg0: i32) -> (i32, i32) {
    %c0_i32 = arith.constant 0 : i32
    %c0_i32_0 = arith.constant 0 : i32
    %c0_i32_1 = arith.constant 0 : i32
    return %c0_i32, %c0_i32_0 : i32, i32
  }
  func.func @transform_2(%arg0: i32) -> (i32, i32) {
    %c0_i32 = arith.constant 0 : i32
    %c0_i32_0 = arith.constant 0 : i32
    %c0_i32_1 = arith.constant 0 : i32
    return %c0_i32, %c0_i32_0 : i32, i32
  }
  func.func @transform_3(%arg0: i32) -> (i32, i32) {
    %c0_i32 = arith.constant 0 : i32
    %c0_i32_0 = arith.constant 0 : i32
    %c0_i32_1 = arith.constant 0 : i32
    return %c0_i32, %c0_i32_0 : i32, i32
  }
}

</mosaic_0001>

<sc_bundles>
// kernel: kernel.4.cloned.1.call-start
scs
__scs_entry_jumppad:
0x0: {  	(pc) =	sbr.rel $0x88, $3  }
0x1: {  	(tag) =	ssettag $0x0;
	lr =	simm.s32 $0x1  }
0x2: {  	[smem:$0x3FA0] =	sst lr;
	_ =	strace $0xD0000000  }
0x3: {  	_ = 	snop  }
0x4: {  	_ = 	snop  }
0x5: {  	_ = 	snop  }
0x6: {  	_ = 	snop  }
0x7: {  	_ = 	snop  }
__scs_overlays_trampoline_lowered:
0x8: {  	[smem:$0x3FAF] =	sst s0  }
0x9: {  	[smem:$0x3FB0] =	sst s1  }
0xa: {  	[smem:$0x3FB1] =	sst s2  }
0xb: {  	[smem:$0x3FB2] =	sst s3  }
0xc: {  	[smem:$0x3FB3] =	sst s4  }
0xd: {  	[smem:$0x3FB4] =	sst s5  }
0xe: {  	[smem:$0x3FB5] =	sst s6  }
0xf: {  	[smem:$0x3FB6] =	sst s7  }
0x10: {  	[smem:$0x3FB7] =	sst s8  }
0x11: {  	[smem:$0x3FB8] =	sst s9;
	s0 =	simm.s32 @!p0 $0x0  }
0x12: {  	s1 =	sld [smem:$0x3F9E];
	s0 =	simm.s32 @p0 $0x1  }
0x13: {  	[smem:$0x3FB9] =	sst s0;
	s0 =	simm.s32 @!p1 $0x0  }
0x14: {  	s2 =	sld [smem:$0x3F9D];
	s0 =	simm.s32 @p1 $0x1  }
0x15: {  	[smem:$0x3FBA] =	sst s0;
	s0 =	simm.s32 @!p2 $0x0  }
0x16: {  	s3 =	sld [smem:$0x3FDB];
	s0 =	simm.s32 @p2 $0x1  }
0x17: {  	s4 =	simm.s32 $0x1BF5;
	[smem:$0x3FBC] =	sst s0  }
0x18: {  	s0 =	sld [smem:$0x3F9F];
	_ =	swait.ge [sflag:s4], $0x0  }
0x19: {  	s7 =	sld [smem:$0x3FA0]  }
0x1a: {  	s8 =	sadd.s32 $0xFFFFE003, lr  }
0x1b: {  	s9 =	sadd.s32 $0xFFFFFEF7, lr;
	s5 =	simm.s32 $0xFFFFFFFF;
	p2 =	slt.u32 s8, $0xFFFFF086  }
0x1c: {  	p1 =	slt.u32 s9, $0xF7A;
	s5 =	simm.s32 @!p2 $0x0  }
0x1d: {  	s5 =	simm.s32 @p1 $0x1;
	p0 =	seq.s32 s7, s2  }
0x1e: {  	s7 =	smul.u32 @!p0 $0xF7A, s2;
	p2 =	seq.s32 @!p0 s5, $0x0  }
0x1f: {  	s9 =	smul.u32 $0xF7A, s1;
	s8 =	simm.s32 @!p0 $0x1BF5;
	p2 =	por !p2, p0  }
0x20: {  	[sflag:s8] =	ssyncset.s32 @!p0 $0xFFFFF086;
	s6 =	sadd.s32 @!p0 s3, s7;
	s7 =	simm.s32 @!p0 $0x108  }
0x21: {  	s3 =	sadd.s32 s3, s9;
	s6 =	sadd.s32 @!p0 $0x88, s6;
	s7 =	simm.s32 @p2 $0x1082  }
0x22: {  	[simem:s7], [sflag:s8] =	dma.local @!p0 [hbm:s6], $0xF7A  }
0x23: {  	s9 =	sor.u32 $0xD0000000, s2;
	s6 =	simm.s32 $0x108;
	_ =	swait.ge @!p0 [sflag:s8], $0x0  }
0x24: {  	s3 =	sadd.s32 $0x88, s3;
	s6 =	simm.s32 @!p1 $0x1082;
	[sflag:s4] =	ssyncset.s32 $0xFFFFF086  }
0x25: {  	[simem:s6], [sflag:s4] =	dma.local [hbm:s3], $0xF7A  }
0x26: {  	[smem:$0x3FA0] =	sst s1;
	(tag) =	ssettag s2;
	_ =	strace s9  }
0x27: {  	s1 =	sld [smem:$0x3FB0]  }
0x28: {  	s2 =	sld [smem:$0x3FB1]  }
0x29: {  	s4 =	sld [smem:$0x3FB3]  }
0x2a: {  	p0 =	seq.s32 s5, $0x0;
	s5 =	sld [smem:$0x3FB4]  }
0x2b: {  	s6 =	sld [smem:$0x3FB5]  }
0x2c: {  	s7 =	sld [smem:$0x3FB6]  }
0x2d: {  	s3 =	simm.s32 $0x108;
	s8 =	sld [smem:$0x3FB7]  }
0x2e: {  	s3 =	simm.s32 @!p0 $0x1082;
	s9 =	sld [smem:$0x3FB8]  }
0x2f: {  	lr =	sadd.s32 s0, s3;
	s0 =	sld [smem:$0x3FAF]  }
0x30: {  	s3 =	sld [smem:$0x3FB2]  }
0x31: {  	[smem:$0x3FBB] =	sst s10  }
0x32: {  	s10 =	sld [smem:$0x3FB9];
	_ =	sdelay $0x3  }
0x33: {  	p0 =	seq.s32 s10, $0x1;
	s10 =	sld [smem:$0x3FBB];
	_ =	sdelay $0x3  }
0x34: {  	[smem:$0x3FBB] =	sst s10  }
0x35: {  	s10 =	sld [smem:$0x3FBA];
	_ =	sdelay $0x3  }
0x36: {  	p1 =	seq.s32 s10, $0x1;
	s10 =	sld [smem:$0x3FBB];
	_ =	sdelay $0x3  }
0x37: {  	[smem:$0x3FBB] =	sst s10  }
0x38: {  	s10 =	sld [smem:$0x3FBC]  }
0x39: {  	_ = 	snop;
	(pc) =	sbr.ind lr, $3  }
0x3a: {  	_ = 	snop  }
0x3b: {  	_ = 	snop  }
0x3c: {  	p2 =	seq.s32 s10, $0x1;
	s10 =	sld [smem:$0x3FBB]  }
0x3d: {  	_ =	shalt  }
0x3e: {  	_ =	shalt  }
0x3f: {  	_ =	shalt  }
0x40: {  	_ =	shalt  }
0x41: {  	_ =	shalt  }
0x42: {  	_ =	shalt  }
0x43: {  	_ =	shalt  }
0x44: {  	_ =	shalt  }
0x45: {  	_ =	shalt  }
0x46: {  	_ =	shalt  }
0x47: {  	_ =	shalt  }
0x48: {  	_ =	shalt  }
0x49: {  	_ =	shalt  }
0x4a: {  	_ =	shalt  }
0x4b: {  	_ =	shalt  }
0x4c: {  	_ =	shalt  }
0x4d: {  	_ =	shalt  }
0x4e: {  	_ =	shalt  }
0x4f: {  	_ =	shalt  }
0x50: {  	_ =	shalt  }
0x51: {  	_ =	shalt  }
0x52: {  	_ =	shalt  }
0x53: {  	_ =	shalt  }
0x54: {  	_ =	shalt  }
0x55: {  	_ =	shalt  }
0x56: {  	_ =	shalt  }
0x57: {  	_ =	shalt  }
0x58: {  	_ =	shalt  }
0x59: {  	_ =	shalt  }
0x5a: {  	_ =	shalt  }
0x5b: {  	_ =	shalt  }
0x5c: {  	_ =	shalt  }
0x5d: {  	_ =	shalt  }
0x5e: {  	_ =	shalt  }
0x5f: {  	_ =	shalt  }
0x60: {  	_ =	shalt  }
0x61: {  	_ =	shalt  }
0x62: {  	_ =	shalt  }
0x63: {  	_ =	shalt  }
0x64: {  	_ =	shalt  }
0x65: {  	_ =	shalt  }
0x66: {  	_ =	shalt  }
0x67: {  	_ =	shalt  }
0x68: {  	_ =	shalt  }
0x69: {  	_ =	shalt  }
0x6a: {  	_ =	shalt  }
0x6b: {  	_ =	shalt  }
0x6c: {  	_ =	shalt  }
0x6d: {  	_ =	shalt  }
0x6e: {  	_ =	shalt  }
0x6f: {  	_ =	shalt  }
0x70: {  	_ =	shalt  }
0x71: {  	_ =	shalt  }
0x72: {  	_ =	shalt  }
0x73: {  	_ =	shalt  }
0x74: {  	_ =	shalt  }
0x75: {  	_ =	shalt  }
0x76: {  	_ =	shalt  }
0x77: {  	_ =	shalt  }
0x78: {  	_ =	shalt  }
0x79: {  	_ =	shalt  }
0x7a: {  	_ =	shalt  }
0x7b: {  	_ =	shalt  }
0x7c: {  	_ =	shalt  }
0x7d: {  	_ =	shalt  }
0x7e: {  	_ =	shalt  }
0x7f: {  	_ =	shalt  }
0x80: {  	_ =	shalt  }
0x81: {  	_ =	shalt  }
0x82: {  	_ =	shalt  }
0x83: {  	_ =	shalt  }
0x84: {  	_ =	shalt  }
0x85: {  	_ =	shalt  }
0x86: {  	_ =	shalt  }
0x87: {  	_ =	shalt  }
.Lfunc_end0:
.L_simem_size_0:
called_computation_lowered:
.L_overlay_start_0:
0x88: {  	s2 =	sld [smem:$0x3FD9]  }
0x89: {  	s3 =	sld [smem:$0x3FFE];
	_ =	sdelay $0x1  }
0x8a: {  	s1 =	srdreg.scid  }
0x8b: {  	s0 =	sand.u32 $0x1, s1  }
0x8c: {  	s16 =	sshll.u32 s0, $0xA;
	s2 =	sadd.s32 s3, s2  }
0x8d: {  	s2 =	sadd.s32 s2, s16  }
0x8e: {  	[smem:$0x3FC7] =	sst s2  }
0x8f: {  	_ = 	snop  }
0x90: {  	(tm) =	ssettm $0x1  }
0x91: {  	s17 =	sld [smem:$0x3FFB];
	_ =	sdelay $0x3  }
0x92: {  	_ =	strace s17  }
0x93: {  	s2 =	sld [smem:$0x3FFC];
	_ =	sdelay $0x3  }
0x94: {  	_ =	strace s2  }
0x95: {  	s2 =	sld [smem:$0x3FFD];
	_ =	sdelay $0x3  }
0x96: {  	_ =	strace s2  }
0x97: {  	_ =	strace $0x8FFFFFFF  }
0x98: {  	s18 =	sld [smem:$0x3FDB];
	_ =	sdelay $0x1  }
0x99: {  	s19 =	simm.s32 $_scs_section_size  }
0x9a: {  	s4 =	simm.s32 $_size__tile_overlayer_lowered;
	s5 =	simm.s32 $_tile_overlayer_lowered  }
0x9b: {  	s22 =	simm.s32 $0x1BFF;
	s21 =	sshll.u32 s5, $0x1;
	s2 =	sadd.s32 s19, s18  }
0x9c: {  	s6 =	simm.s32 $0x0;
	s20 =	sshll.u32 s4, $0x1;
	s4 =	sadd.s32 s21, s2  }
0x9d: {  	[timem:s6], [sflag:s22] =	dma.local [hbm:s4], s20  }
0x9e: {  	_ =	swait.ge [sflag:s22], s20  }
0x9f: {  	s3 =	ssub.s32 $0x0, s20;
	[sflag:s22] =	ssyncset.done $0x0  }
0xa0: {  	[sflag:s22] =	ssyncadd.s32 s3;
	_ =	sdelay $0x1  }
0xa1: {  	s23 =	simm.s32 $0x1B8B  }
0xa2: {  	_ =	swait.ge [sflag:s23], $0x1  }
0xa3: {  	[sflag:s23] =	ssyncset.done $0x0  }
0xa4: {  	s25 =	simm.s32 $0x1B8E;
	s24 =	sld [smem:$0x3FFE];
	[sflag:s23] =	ssyncadd.s32 $0xFFFFFFFF  }
0xa5: {  	s26 =	simm.s32 $execute0_lowered;
	[smem:$0x3FD2] =	sst s25  }
0xa6: {  	s4 =	sshll.u32 s26, $0x1;
	_ =	strace $0x80000046;
	[dreg:$0x1] =	wrdreg $0xFFFFFFFF  }
0xa7: {  	s28 =	simm.s32 $_size_execute0_lowered;
	s2 =	sadd.s32 s2, s4;
	[dreg:$0x0] =	wrdreg $0x0  }
0xa8: {  	s4 =	sshll.u32 s28, $0x1;
	[dreg:$0x2] =	wrdreg s2  }
0xa9: {  	[dreg:$0x3] =	wrdreg s4  }
0xaa: {  	[dreg:$0x4] =	wrdreg $0xC0  }
0xab: {  	_ =	task [dreg:s6], $0x5FFFF  }
0xac: {  	[dreg:$0x1] =	wrdreg $0xFFFFFFFF  }
0xad: {  	[dreg:$0x0] =	wrdreg $0x60  }
0xae: {  	[dreg:$0x2] =	wrdreg s24  }
0xaf: {  	[dreg:$0x3] =	wrdreg $0x9  }
0xb0: {  	_ =	task.clear_ibuf [dreg:s6], $0x4FFFF;
	_ =	strace $0x90000046  }
0xb1: {  	s29 =	simm.s32 $0x9;
	_ =	strace $0x80000048  }
0xb2: {  	_ =	swait.ge [sflag:s29], $0x1  }
0xb3: {  	[sflag:s29] =	ssyncadd.s32 $0xFFFFFFFF  }
0xb4: {  	_ =	strace $0x90000048  }
0xb5: {  	_ =	sfence  }
0xb6: {  	s30 =	sld [smem:$0x0];
	_ =	sdelay $0x2  }
0xb7: {  	s31 =	sshll.u32 s1, $0xD;
	s1 =	sshrl.u32 s1, $0x2  }
0xb8: {  	s3 =	sand.u32 $0x4000, s31;
	s1 =	sadd.s32 s1, s30  }
0xb9: {  	s0 =	sor.u32 s3, s0;
	s1 =	sshll.u32 s1, $0x11  }
0xba: {  	s0 =	sor.u32 s1, s0  }
0xbb: {  	s0 =	sadd.s32 $0x8F2B, s0  }
0xbc: {  	[sflag:s0] =	ssyncadd.remote.s32 $0x1  }
0xbd: {  	_ =	sfence.sel $0xFFFF  }
0xbe: {  	[dreg:$0x0] =	wrdreg $0xFFFFFFFF;
	(pc) =	sbr.abs _section_cstart, $3  }
0xbf: {  	[dreg:$0x1] =	wrdreg $0xFFFFFFFF  }
0xc0: {  	_ =	task.clear_ibuf [dreg:s6], $0x2FFFF;
	_ =	strace $0x9FFFFFFF  }
0xc1: {  	(tm) =	ssettm $0x7FFFFFFF  }
tec
execute0_lowered:
.L_overlay_start_1:
0x0: {  	(tag) =	ssettag $0x1  }
0x1: {  	s1 =	srdreg.scid  }
0x2: {  	s0 =	stileid.u32;
	s2 =	rddreg [dreg:$0x0];
	s3 =	simm.s32 $0x0  }
0x3: {  	s9 =	simm.s32 $0x1;
	s10 =	simm.s32 $0x8000;
	s11 =	simm.s32 $0x8080  }
0x4: {  	s12 =	simm.s32 $0x8100;
	s4 =	sand.u32 $0x1, s1;
	s5 =	sshll.u32 s0, $0x1  }
0x5: {  	s13 =	simm.s32 $0x0;
	s1 =	rddreg [dreg:$0x1];
	s5 =	sor.u32 s4, s5  }
0x6: {  	v0 =	vlaneseq.u32;
	[smem:$0x7FF] =	sst s3;
	s31 =	ssub.s32 $0x2, s4;
	s6 =	sshll.u32 s5, $0x4  }
0x7: {  	v0 =	vmul.u32 $0xFFFFFFFF, v0;
	_ =	strace $0x80000047;
	s8 =	sshrl.u32 s31, $0x1;
	s7 =	sadd.s32 s6, s2  }
0x8: {  	s4 =	smul.u32 $0x58000, s5;
	s8 =	ssub.s32 s31, s8;
	s5 =	sadd.s32 $0x160000, s7  }
0x9: {  	vm0 =	vcmask $0x3F38;
	vm1 =	vmmov $0x1;
	v0 =	vadd.s32 $0xF, v0;
	s6 =	sadd.s32 $0x160200, s7;
	s7 =	sadd.s32 $0x160400, s7;
	s8 =	smax.u32 s8, $0x1  }
.LBB2_1:
0xa: {  	v1 =	vimm.f32 $0.0e+00;
	v10 =	vimm.f32 $0.0e+00;
	v6 =	vimm.f32 $0.0e+00  }
0xb: {  	v11 =	vimm.f32 $0.0e+00;
	v12 =	vimm.f32 $0.0e+00;
	v2 =	vimm.f32 $0.0e+00  }
0xc: {  	v3 =	vimm.f32 $0.0e+00;
	v4 =	vimm.f32 $0.0e+00;
	v5 =	vimm.f32 $0.0e+00;
	s14 =	simm.s32 $0x0  }
.LBB2_2:
0xd: {  	s15 =	sshll.u32 s14, $0xF  }
0xe: {  	s15 =	sadd.s32 s4, s15  }
0xf: {  	s15 =	sshrl.u32 s15, $0x3  }
0x10: {  	s16 =	simm.s32 $0x0;
	s15 =	sadd.s32 s2, s15  }
0x11: {  	[tilespmem:s16], [sflag:$0x1] =	stream.linear.gather [hbm4b:s15+s16], $0x8000, $0x38;
	[tilespmem:$0x8180] =	vst v63  }
0x12: {  	_ =	swait.ge [sflag:s9], $0x8000  }
0x13: {  	[sflag:s9] =	ssyncset.done $0x0  }
0x14: {  	s16 =	simm.s32 $0x0;
	[sflag:s9] =	ssyncadd.s32 $0xFFFF8000  }
0x15: {  	v7 =	vld [tilespmem:s16+$0x0]  }
0x16: {  	v8 =	vld [tilespmem:s16+$0x10]  }
0x17: {  	v9 =	vld [tilespmem:s16+$0x20]  }
0x18: {  	v13 =	vld [tilespmem:s16+$0x30];
	_ =	sdelay $0x1  }
0x19: {  	v7 =	vmul.f32 $1.442695020e+00, v7  }
0x1a: {  	v8 =	vmul.f32 $1.442695020e+00, v8  }
0x1b: {  	(erf) = vpow2.f32 v7;
	v7 =	vmul.f32 $1.442695020e+00, v9  }
0x1c: {  	(erf) = vpow2.f32 v8;
	v8 =	vmul.f32 $1.442695020e+00, v13  }
0x1d: {  	(erf) = vpow2.f32 v7  }
0x1e: {  	(erf) = vpow2.f32 v8;
	_ =	sdelay $0x5  }
0x1f: {  	v14 =	vpop (erf)  }
0x20: {  	v16 =	vpop (erf)  }
0x21: {  	v15 =	vpop (erf);
	(xrf1) =	vsort.ascd.msk.f32 $0xffff, v16, v16  }
0x22: {  	v17 =	vpop (erf);
	(xrf1) =	vsort.ascd.msk.f32 $0xffff, v14, v14  }
0x23: {  	(xrf1) =	vsort.ascd.msk.f32 $0xffff, v17, v17;
	_ =	sdelay $0x1  }
0x24: {  	(xrf1) =	vsort.ascd.msk.f32 $0xffff, v15, v15;
	_ =	sdelay $0x4  }
0x25: {  	s17 =	simm.s32 $0x80  }
0x26: {  	v7 =	vld [tilespmem:s17+$0x0]  }
0x27: {  	v8 =	vld [tilespmem:s17+$0x10];
	_ =	sdelay $0x2  }
0x28: {  	v13 =	vld [tilespmem:s17+$0x20];
	v9, _, _ =	vpop (xrf1)  }
0x29: {  	v7 =	vmul.f32 $1.442695020e+00, v7;
	v18, _, _ =	vpop (xrf1)  }
0x2a: {  	v19 =	vld [tilespmem:s17+$0x30];
	v8 =	vmul.f32 $1.442695020e+00, v8;
	v9 =	vperm.xlane v9, v0;
	v20, _, _ =	vpop (xrf1)  }
0x2b: {  	(erf) = vpow2.f32 v7;
	v20 =	vperm.xlane v20, v0  }
0x2c: {  	(erf) = vpow2.f32 v8;
	v7 =	vmin.f32 v18, v9;
	v21, _, _ =	vpop (xrf1)  }
0x2d: {  	v8 =	vmul.f32 $1.442695020e+00, v13;
	(xrf1) =	vsort.ascd.msk.f32 $0xffff, v7, v7;
	v7 =	vmin.f32 v21, v20  }
0x2e: {  	v13 =	vmax.f32 v21, v20;
	(xrf1) =	vsort.ascd.msk.f32 $0xffff, v7, v7  }
0x2f: {  	(erf) = vpow2.f32 v8;
	v8 =	vmax.f32 v18, v9;
	v7 =	vmul.f32 $1.442695020e+00, v19;
	(xrf1) =	vsort.ascd.msk.f32 $0xffff, v13, v13  }
0x30: {  	(xrf1) =	vsort.ascd.msk.f32 $0xffff, v8, v8  }
0x31: {  	(erf) = vpow2.f32 v7;
	_ =	sdelay $0x2  }
0x32: {  	v8 =	vpop (erf)  }
0x33: {  	v9 =	vpop (erf)  }
0x34: {  	(xrf1) =	vsort.ascd.msk.f32 $0xffff, v9, v9;
	_ =	sdelay $0x1  }
0x35: {  	(xrf1) =	vsort.ascd.msk.f32 $0xffff, v8, v8  }
0x36: {  	v7 =	vpop (erf)  }
0x37: {  	v13 =	vpop (erf)  }
0x38: {  	v18, _, _ =	vpop (xrf1)  }
0x39: {  	(xrf1) =	vsort.ascd.msk.f32 $0xffff, v13, v13;
	v19, _, _ =	vpop (xrf1)  }
0x3a: {  	v20, _, _ =	vpop (xrf1);
	v19 =	vperm.xlane v19, v0  }
0x3b: {  	(xrf1) =	vsort.ascd.msk.f32 $0xffff, v7, v7;
	v20 =	vperm.xlane v20, v0;
	v21, _, _ =	vpop (xrf1)  }
0x3c: {  	v23 =	vmax.f32 v21, v19  }
0x3d: {  	v19 =	vmin.f32 v21, v19;
	v22 =	vmax.f32 v18, v20;
	v18 =	vmin.f32 v18, v20  }
0x3e: {  	v24 =	vmin.f32 v22, v23;
	v20 =	vmin.f32 v18, v19  }
0x3f: {  	s18 =	simm.s32 $0x100;
	(xrf1) =	vsort.ascd.msk.f32 $0xffff, v24, v24  }
0x40: {  	v21 =	vld [tilespmem:s18+$0x0];
	v18 =	vmax.f32 v18, v19  }
0x41: {  	(xrf1) =	vsort.ascd.msk.f32 $0xffff, v20, v20;
	v20, _, _ =	vpop (xrf1)  }
0x42: {  	v20 =	vperm.xlane v20, v0  }
0x43: {  	v19 =	vld [tilespmem:s18+$0x10];
	(xrf1) =	vsort.ascd.msk.f32 $0xffff, v18, v18;
	v18, _, _ =	vpop (xrf1)  }
0x44: {  	v24 =	vmin.f32 v18, v20  }
0x45: {  	v21 =	vmul.f32 $1.442695020e+00, v21  }
0x46: {  	v25 =	vld [tilespmem:s18+$0x20];
	v22 =	vmax.f32 v22, v23;
	(xrf1) =	vsort.ascd.msk.f32 $0xffff, v24, v24  }
0x47: {  	v23 =	vld [tilespmem:s18+$0x30];
	(xrf1) =	vsort.ascd.msk.f32 $0xffff, v22, v22;
	v24, _, _ =	vpop (xrf1)  }
0x48: {  	v19 =	vmul.f32 $1.442695020e+00, v19;
	v22 =	vperm.xlane v24, v0  }
0x49: {  	(erf) = vpow2.f32 v21;
	v21, _, _ =	vpop (xrf1)  }
0x4a: {  	(erf) = vpow2.f32 v19;
	v19 =	vmin.f32 v21, v22;
	v21 =	vmax.f32 v21, v22  }
0x4b: {  	v24 =	vmul.f32 $1.442695020e+00, v25;
	(xrf1) =	vsort.ascd.msk.f32 $0xffff, v19, v19  }
0x4c: {  	v18 =	vmax.f32 v18, v20;
	v19 =	vmul.f32 $1.442695020e+00, v23  }
0x4d: {  	(erf) = vpow2.f32 v24;
	(xrf1) =	vsort.ascd.msk.f32 $0xffff, v21, v21;
	v21, _, _ =	vpop (xrf1)  }
0x4e: {  	(erf) = vpow2.f32 v19;
	(xrf2) =	vadd.scan.msk.f32 $0xffff, v21  }
0x4f: {  	(xrf1) =	vsort.ascd.msk.f32 $0xffff, v18, v18;
	v18, _, _ =	vpop (xrf1)  }
0x50: {  	(xrf2) =	vadd.scan.msk.f32 $0xffff, v18  }
0x51: {  	v19, _, _ =	vpop (xrf1)  }
0x52: {  	v28 =	vpop (erf);
	(xrf2) =	vadd.scan.msk.f32 $0xffff, v19  }
0x53: {  	v29 =	vpop (erf)  }
0x54: {  	v20, _, _ =	vpop (xrf1)  }
0x55: {  	v22, _, _ =	vpop (xrf1)  }
0x56: {  	v27 =	vpop (erf);
	(xrf2) =	vadd.scan.msk.f32 $0xffff, v22  }
0x57: {  	(xrf1) =	vsort.ascd.msk.f32 $0xffff, v29, v29;
	v26 =	vpop (erf)  }
0x58: {  	v23, _, _ =	vpop (xrf2)  }
0x59: {  	(xrf1) =	vsort.ascd.msk.f32 $0xffff, v28, v28;
	v24, _, _ =	vpop (xrf1)  }
0x5a: {  	v30, _, _ =	vpop (xrf2)  }
0x5b: {  	(xrf1) =	vsort.ascd.msk.f32 $0xffff, v26, v26;
	v25, _, _ =	vpop (xrf1)  }
0x5c: {  	(v2sf) =	vpush v30, $0xF;
	v32, _, _ =	vpop (xrf2)  }
0x5d: {  	(xrf1) =	vsort.ascd.msk.f32 $0xffff, v27, v27;
	v24 =	vperm.xlane v24, v0;
	v25 =	vperm.xlane v25, v0;
	(v2sf) =	vpush v32, $0xF  }
0x5e: {  	v31, _, _ =	vpop (xrf1)  }
0x5f: {  	v34 =	vmax.f32 v31, v24;
	(v2sf) =	vpush v23, $0xF;
	v33 =	vmax.f32 v20, v25  }
0x60: {  	s19 =	simm.s32 $0x180;
	v35 =	vmin.f32 v33, v34;
	v36, _, _ =	vpop (xrf2)  }
0x61: {  	v37 =	vld [tilespmem:s19+$0x0];
	v24 =	vmin.f32 v31, v24;
	v20 =	vmin.f32 v20, v25;
	(xrf1) =	vsort.ascd.msk.f32 $0xffff, v35, v35;
	(v2sf) =	vpush v36, $0xF  }
0x62: {  	v45 =	vld [tilespmem:s19+$0x10];
	v31 =	vmin.f32 v20, v24;
	_ =	sdelay $0x1  }
0x63: {  	v38 =	vmul.f32 v16, v16;
	v25 =	vmul.f32 v14, v14  }
0x64: {  	v46 =	vmul.f32 v15, v15;
	v20 =	vmax.f32 v20, v24;
	v24 =	vld [tilespmem:s19+$0x20];
	(xrf1) =	vsort.ascd.msk.f32 $0xffff, v31, v31;
	v31, _, _ =	vpop (xrf1)  }
0x65: {  	v25 =	vadd.f32 v38, v25;
	(xrf1) =	vsort.ascd.msk.f32 $0xffff, v20, v20;
	v20 =	vmul.f32 $1.442695020e+00, v37;
	v31 =	vperm.xlane v31, v0  }
0x66: {  	v48 =	vmul.f32 $1.442695020e+00, v45;
	v39 =	vmul.f32 v17, v17;
	v47, _, _ =	vpop (xrf1)  }
0x67: {  	v49 =	vld [tilespmem:s19+$0x30];
	(erf) = vpow2.f32 v20;
	v20 =	vadd.f32 v46, v25;
	v40 =	vmin.f32 v47, v31  }
0x68: {  	v25 =	vmax.f32 v33, v34;
	(erf) = vpow2.f32 v48;
	(xrf1) =	vsort.ascd.msk.f32 $0xffff, v40, v40;
	v50, _, _ =	vpop (xrf1)  }
0x69: {  	v24 =	vmul.f32 $1.442695020e+00, v24;
	v20 =	vadd.f32 v39, v20;
	(xrf1) =	vsort.ascd.msk.f32 $0xffff, v25, v25;
	v25 =	vperm.xlane v50, v0  }
0x6a: {  	v51, _, _ =	vpop (xrf1);
	s20 =	spop (v2sf)  }
0x6b: {  	(erf) = vpow2.f32 v24;
	(xrf2) =	vadd.scan.msk.f32 $0xffff, v20;
	v24 =	vmin.f32 v51, v25;
	s21 =	spop (v2sf)  }
0x6c: {  	v20 =	vmax.f32 v51, v25;
	(xrf1) =	vsort.ascd.msk.f32 $0xffff, v24, v24;
	v24 =	vmul.f32 $1.442695020e+00, v49;
	s16 =	sadd.f32 s21, s20  }
0x6d: {  	(xrf1) =	vsort.ascd.msk.f32 $0xffff, v20, v20;
	s22 =	spop (v2sf);
	v20 =	vmax.f32 v47, v31  }
0x6e: {  	(erf) = vpow2.f32 v24;
	v24 =	vbroadcast v30, $0xF;
	v42, _, _ =	vpop (xrf1);
	s17 =	sadd.f32 s16, s22;
	(xrf1) =	vsort.ascd.msk.f32 $0xffff, v20, v20  }
0x6f: {  	(xrf2) =	vadd.scan.msk.f32 $0xffff, v42;
	s23 =	spop (v2sf)  }
0x70: {  	v31 =	vpop (erf);
	v20 =	vadd.f32 v24, v32;
	s15 =	sadd.f32 s17, s23  }
0x71: {  	v23 =	vadd.f32 s16, v23;
	v34 =	vpop (erf);
	v24 =	vadd.f32 s17, v36  }
0x72: {  	v45, _, _ =	vpop (xrf1);
	v25 =	vsub.f32 s15, v30;
	v20 =	vsub.f32 s15, v20  }
0x73: {  	(xrf2) =	vadd.scan.msk.f32 $0xffff, v45;
	v46, _, _ =	vpop (xrf1);
	v24 =	vsub.f32 s15, v24;
	v23 =	vsub.f32 s15, v23  }
0x74: {  	v33 =	vpop (erf);
	(xrf2) =	vadd.scan.msk.f32 $0xffff, v46;
	v25 =	vadd.f32 v25, v18;
	v20 =	vadd.f32 v20, v19  }
0x75: {  	v52, _, _ =	vpop (xrf2);
	s24 =	smul.f32 $7.500000000e-01, s15;
	v24 =	vadd.f32 v24, v22;
	v23 =	vadd.f32 v23, v21  }
0x76: {  	v30, _, _ =	vpop (xrf1)  }
0x77: {  	v40, _, _ =	vpop (xrf1);
	vm2 =	vle.f32 v25, s24;
	vm4 =	vle.f32 v24, s24;
	vm5 =	vle.f32 v23, s24  }
0x78: {  	(xrf2) =	vadd.scan.msk.f32 $0xffff, v40;
	v35 =	vpop (erf);
	vm3 =	vle.f32 v20, s24;
	vm4 =	vmor vm4, vm0;
	v21 =	vnsel vm5, $0x7F61B1E6, v21  }
0x79: {  	v18 =	vnsel vm2, $0x7F61B1E6, v18;
	v19 =	vnsel vm3, $0x7F61B1E6, v19;
	v20, _, _ =	vpop (xrf2);
	v22 =	vnsel vm4, $0x7F61B1E6, v22  }
0x7a: {  	(xrf1) =	vsort.ascd.msk.f32 $0xffff, v34, v34;
	v23, _, _ =	vpop (xrf1);
	v18 =	vmin.f32 v18, v19;
	v19 =	vmin.f32 v21, v22  }
0x7b: {  	(xrf1) =	vsort.ascd.msk.f32 $0xffff, v31, v31;
	v21, _, _ =	vpop (xrf1)  }
0x7c: {  	(xrf1) =	vsort.ascd.msk.f32 $0xffff, v35, v35;
	v18 =	vmin.f32 v18, v19;
	v24, _, _ =	vpop (xrf1)  }
0x7d: {  	s25 =	simm.s32 $0x200;
	(xrf0) =	vmin.scan.msk.f32 $0xffff, v18;
	v18 =	vperm.xlane v21, v0;
	v21 =	vperm.xlane v23, v0;
	v19, _, _ =	vpop (xrf2)  }
0x7e: {  	v23 =	vld [tilespmem:s25+$0x0];
	(xrf1) =	vsort.ascd.msk.f32 $0xffff, v33, v33;
	(v2sf) =	vpush v19, $0xF;
	v22, _, _ =	vpop (xrf2)  }
0x7f: {  	v25 =	vmax.f32 v30, v18;
	v53 =	vmax.f32 v24, v21;
	(v2sf) =	vpush v22, $0xF  }
0x80: {  	v55 =	vld [tilespmem:s25+$0x10];
	v54 =	vmin.f32 v25, v53  }
0x81: {  	v18 =	vmin.f32 v30, v18;
	v21 =	vmin.f32 v24, v21;
	(v2sf) =	vpush v20, $0xF;
	(xrf1) =	vsort.ascd.msk.f32 $0xffff, v54, v54  }
0x82: {  	v30 =	vmin.f32 v18, v21;
	v24, _, _ =	vpop (xrf2);
	(v2sf) =	vpush v52, $0xF  }
0x83: {  	v57 =	vld [tilespmem:s25+$0x20];
	v23 =	vmul.f32 $1.442695020e+00, v23;
	(xrf1) =	vsort.ascd.msk.f32 $0xffff, v30, v30;
	(v2sf) =	vpush v24, $0xF;
	v56, _, _ =	vpop (xrf0)  }
0x84: {  	(v2sf) =	vpush v56, $0xF  }
0x85: {  	v18 =	vmax.f32 v18, v21;
	(erf) = vpow2.f32 v23;
	v23 =	vmul.f32 $1.442695020e+00, v55  }
0x86: {  	v21 =	vmul.f32 v8, v8;
	v30 =	vmul.f32 v9, v9;
	(xrf1) =	vsort.ascd.msk.f32 $0xffff, v18, v18;
	v18 =	vmov s15  }
0x87: {  	v18 =	vadd.f32 $0.0e+00, v18;
	(erf) = vpow2.f32 v23  }
0x88: {  	v59 =	vmul.f32 v13, v13;
	v58, _, _ =	vpop (xrf1);
	v21 =	vadd.f32 v30, v21;
	v30 =	vmul.f32 $1.442695020e+00, v57  }
0x89: {  	v43, _, _ =	vpop (xrf1);
	v23 =	vmul.f32 v7, v7;
	(erf) = vrcp.f32 v18  }
0x8a: {  	v60, _, _ =	vpop (xrf1);
	v18 =	vperm.xlane v58, v0;
	(erf) = vpow2.f32 v30  }
0x8b: {  	v25 =	vmax.f32 v25, v53;
	v61 =	vperm.xlane v60, v0;
	v21 =	vadd.f32 v23, v21;
	v23 =	vld [tilespmem:s25+$0x30]  }
0x8c: {  	v30 =	vmin.f32 v43, v18;
	v62, _, _ =	vpop (xrf1)  }
0x8d: {  	v21 =	vadd.f32 v59, v21;
	(xrf1) =	vsort.ascd.msk.f32 $0xffff, v30, v30;
	v30 =	vmin.f32 v62, v61;
	s26 =	spop (v2sf)  }
0x8e: {  	s18 =	smul.f32 $5.000000000e-01, s15;
	(xrf1) =	vsort.ascd.msk.f32 $0xffff, v25, v25;
	v25 =	vpop (erf);
	s28 =	spop (v2sf)  }
0x8f: {  	(xrf2) =	vadd.scan.msk.f32 $0xffff, v21;
	v37, _, _ =	vpop (xrf1);
	s17 =	sadd.f32 s28, s26  }
0x90: {  	v63 =	vbroadcast v19, $0xF;
	s15 =	smul.f32 s18, s15;
	v21 =	vmul.f32 $1.442695020e+00, v23;
	v23 =	vmax.f32 v62, v61;
	(xrf1) =	vsort.ascd.msk.f32 $0xffff, v30, v30;
	v30 =	vpop (erf);
	s29 =	spop (v2sf)  }
0x91: {  	v18 =	vmax.f32 v43, v18;
	(xrf1) =	vsort.ascd.msk.f32 $0xffff, v23, v23;
	v41, _, _ =	vpop (xrf1);
	s31 =	spop (v2sf);
	s30 =	sadd.f32 s17, s29  }
0x92: {  	(erf) = vpow2.f32 v21;
	v21 =	vadd.f32 v63, v22;
	(xrf1) =	vsort.ascd.msk.f32 $0xffff, v18, v18;
	v44 =	vpop (erf);
	s19 =	spop (v2sf);
	p0 =	slt.f32 s31, s15  }
0x93: {  	v39 =	vbroadcast v52, $0xF;
	v22 =	vmov v28;
	(xrf2) =	vadd.scan.msk.f32 $0xffff, v37;
	v36 =	vpop (erf);
	s16 =	spop (v2sf)  }
0x94: {  	v18 =	vmov v34;
	v23 =	vmov v27;
	v32 =	vmul.f32 v44, v17;
	(xrf2) =	vadd.scan.msk.f32 $0xffff, v41;
	v43, _, _ =	vpop (xrf1);
	s15 =	sadd.f32 s30, s19;
	s16 =	simm.s32 @p0 $0x0  }
0x95: {  	v51 =	vadd.f32 s17, v20;
	v20 =	vmovc v31;
	v52 =	vadd.f32 s30, v24;
	v24 =	vmovc v26;
	vm2 =	vge.f32 v17, s16  }
0x96: {  	s17 =	simm.s32 $0xA00;
	v17 =	vmovc v33;
	v54 =	vsub.f32 s15, v19;
	v53 =	vsub.f32 s15, v21;
	v19 =	vmovc v35;
	v21 =	vmov v29  }
.LBB2_3:
0x97: {  	v49 =	vmov v26  }
0x98: {  	v26 =	vmovc v35;
	v50 =	vmovc v27;
	v27 =	vmov v33;
	v55 =	vmov v29;
	v29 =	vmov v34  }
0x99: {  	v56 =	vmovc v28;
	v28 =	vmovc v31;
	v33 =	vmov v36;
	v31 =	vmov v25;
	v34 =	vmov v30  }
0x9a: {  	p0 =	sne.s32 s17, $0x1FE00;
	v25 =	vsub.f32 s15, v51;
	v30 =	vsub.f32 s15, v52;
	v38 =	vnsel vm2, $0x0, v32;
	(xrf2) =	vadd.scan.msk.f32 $0xffff, v43;
	v36, _, _ =	vpop (xrf2)  }
0x9b: {  	v47 =	vadd.f32 v54, v45;
	v10 =	vadd.f32 v38, v10;
	v35 =	vpop (erf);
	v51 =	vbroadcast v36, $0xF  }
0x9c: {  	s18 =	smul.f32 $7.500000000e-01, s15;
	v39 =	vmul.f32 v44, v39;
	v48 =	vadd.f32 v53, v46;
	v30 =	vadd.f32 v30, v40;
	v52, _, _ =	vpop (xrf1)  }
0x9d: {  	vm2 =	vge.f32 v14, s16;
	v54 =	vmul.f32 v44, v14;
	v25 =	vadd.f32 v25, v42;
	(xrf1) =	vsort.ascd.msk.f32 $0xffff, v34, v34;
	v53, _, _ =	vpop (xrf1)  }
0x9e: {  	vm3 =	vle.f32 v47, s18;
	vm4 =	vle.f32 v48, s18;
	vm5 =	vle.f32 v30, s18;
	v38, _, _ =	vpop (xrf2);
	(xrf2) =	vadd.scan.msk.f32 $0xffff, v53  }
0x9f: {  	vm6 =	vle.f32 v25, s18;
	v25 =	vnsel vm3, $0x7F61B1E6, v45;
	vm5 =	vmor vm5, vm0;
	v14, _, _ =	vpop (xrf1)  }
0xa0: {  	v45 =	vnsel vm4, $0x7F61B1E6, v46;
	v42 =	vnsel vm6, $0x7F61B1E6, v42;
	v40 =	vnsel vm5, $0x7F61B1E6, v40;
	(xrf1) =	vsort.ascd.msk.f32 $0xffff, v31, v31;
	v30, _, _ =	vpop (xrf1)  }
0xa1: {  	s18 =	sshra.s32 s17, $0x2;
	vm3 =	vge.f32 v16, s16;
	v25 =	vmin.f32 v25, v45;
	v45 =	vmin.f32 v42, v40;
	(xrf1) =	vsort.ascd.msk.f32 $0xffff, v35, v35;
	v47, _, _ =	vpop (xrf2)  }
0xa2: {  	v16 =	vmul.f32 v44, v16;
	vm4 =	vge.f32 v15, s16;
	v25 =	vmin.f32 v25, v45;
	v42 =	vld [tilespmem:s18+$0x0];
	(xrf1) =	vsort.ascd.msk.f32 $0xffff, v33, v33  }
0xa3: {  	v14 =	vperm.xlane v14, v0;
	v30 =	vperm.xlane v30, v0;
	v40, _, _ =	vpop (xrf1);
	(xrf0) =	vmin.scan.msk.f32 $0xffff, v25;
	v25 =	vnsel vm2, $0x0, v54  }
0xa4: {  	v15 =	vmul.f32 v44, v15;
	v44 =	vmul.f32 v39, v44;
	(v2sf) =	vpush v47, $0xF;
	v57, _, _ =	vpop (xrf2)  }
0xa5: {  	v48 =	vmovc v13;
	v13 =	vmovc v24;
	v45 =	vmax.f32 v52, v30;
	v46 =	vmax.f32 v40, v14;
	(v2sf) =	vpush v57, $0xF  }
0xa6: {  	v24 =	vmovc v19;
	v19 =	vmovc v35;
	v58 =	vnsel vm3, $0x0, v16;
	v59 =	vnsel vm4, $0x0, v15;
	v61 =	vmin.f32 v45, v46  }
0xa7: {  	v56 =	vmul.f32 v56, v22;
	v39 =	vmovc v51;
	v60 =	vld [tilespmem:s18+$0x10];
	v42 =	vmul.f32 $1.442695020e+00, v42;
	(xrf1) =	vsort.ascd.msk.f32 $0xffff, v61, v61;
	(v2sf) =	vpush v38, $0xF  }
0xa8: {  	v30 =	vmin.f32 v52, v30;
	v51 =	vmin.f32 v40, v14;
	v52, _, _ =	vpop (xrf2);
	(v2sf) =	vpush v36, $0xF  }
0xa9: {  	v61 =	vmin.f32 v30, v51;
	v36 =	vmul.f32 v55, v21;
	(v2sf) =	vpush v52, $0xF;
	v40, _, _ =	vpop (xrf0)  }
0xaa: {  	v12 =	vadd.f32 v25, v12;
	v14 =	vmovc v8;
	v55 =	vld [tilespmem:s18+$0x20];
	(xrf1) =	vsort.ascd.msk.f32 $0xffff, v61, v61;
	(v2sf) =	vpush v40, $0xF;
	v40 =	vmov v53  }
0xab: {  	v56 =	vadd.f32 v36, v56;
	(erf) = vpow2.f32 v42;
	v25, _, _ =	vpop (xrf1);
	v42 =	vmul.f32 v50, v23  }
0xac: {  	v49 =	vmul.f32 v49, v13;
	v8 =	vmovc v22;
	v22 =	vmovc v20;
	v30 =	vmax.f32 v30, v51;
	v50 =	vmul.f32 $1.442695020e+00, v60  }
0xad: {  	v20 =	vmovc v31;
	v53 =	vperm.xlane v25, v0;
	v51 =	vld [tilespmem:s18+$0x30];
	(xrf1) =	vsort.ascd.msk.f32 $0xffff, v30, v30;
	v25 =	vadd.f32 v42, v56;
	v30 =	vmov s15  }
0xae: {  	v11 =	vadd.f32 v58, v11;
	(erf) = vpow2.f32 v50;
	v36, _, _ =	vpop (xrf1);
	v30 =	vadd.f32 $0.0e+00, v30  }
0xaf: {  	v56 =	vmul.f32 $1.442695020e+00, v55;
	v50 =	vmin.f32 v36, v53;
	v55, _, _ =	vpop (xrf1);
	v25 =	vadd.f32 v49, v25  }
0xb0: {  	v45 =	vmax.f32 v45, v46;
	v49 =	vperm.xlane v55, v0;
	v55, _, _ =	vpop (xrf1);
	(xrf1) =	vsort.ascd.msk.f32 $0xffff, v50, v50;
	(erf) = vrcp.f32 v30  }
0xb1: {  	v1 =	vadd.f32 v44, v1;
	v6 =	vadd.f32 v59, v6;
	(erf) = vpow2.f32 v56;
	(xrf1) =	vsort.ascd.msk.f32 $0xffff, v45, v45  }
0xb2: {  	v5 =	vadd.f32 v54, v5;
	v42 =	vmovc v37;
	v30 =	vmul.f32 $1.442695020e+00, v51;
	v44 =	vmin.f32 v55, v49;
	(xrf2) =	vadd.scan.msk.f32 $0xffff, v25  }
0xb3: {  	v4 =	vadd.f32 v16, v4;
	v16 =	vmovc v9;
	v45 =	vmax.f32 v55, v49;
	(xrf1) =	vsort.ascd.msk.f32 $0xffff, v44, v44;
	s16 =	spop (v2sf)  }
0xb4: {  	s19 =	smul.f32 $5.000000000e-01, s15;
	v2 =	vadd.f32 v32, v2;
	v3 =	vadd.f32 v15, v3;
	v25 =	vpop (erf);
	(erf) = vpow2.f32 v30;
	(xrf1) =	vsort.ascd.msk.f32 $0xffff, v45, v45;
	s18 =	spop (v2sf)  }
0xb5: {  	v9 =	vmov v21;
	v21 =	vmov v18;
	v18 =	vmov v34;
	v37, _, _ =	vpop (xrf1);
	s18 =	sadd.f32 s18, s16  }
0xb6: {  	s16 =	spop (v2sf)  }
0xb7: {  	v15 =	vmovc v7;
	v7 =	vmov v23;
	s15 =	smul.f32 s19, s15;
	v32 =	vmax.f32 v36, v53;
	v45 =	vmov v41;
	(xrf2) =	vadd.scan.msk.f32 $0xffff, v37;
	s19 =	sadd.f32 s18, s16  }
.Ltmp0:
0xb8: {  	v30 =	vpop (erf);
	(xrf1) =	vsort.ascd.msk.f32 $0xffff, v32, v32;
	v32 =	vbroadcast v47, $0xF;
	s16 =	spop (v2sf);
	(pc) =	sbr.rel @p0 .LBB2_3-.Ltmp0, $4  }
0xb9: {  	v46 =	vmov v43;
	v23 =	vmov v17;
	v17 =	vmov v33;
	v41, _, _ =	vpop (xrf1);
	s20 =	spop (v2sf);
	p1 =	slt.f32 s16, s15  }
0xba: {  	(xrf2) =	vadd.scan.msk.f32 $0xffff, v41;
	v49 =	vadd.f32 v32, v57;
	s15 =	sadd.f32 s19, s20;
	s16 =	spop (v2sf);
	v44 =	vpop (erf)  }
0xbb: {  	v51 =	vadd.f32 s18, v38;
	v52 =	vadd.f32 s19, v52;
	v36 =	vpop (erf);
	s16 =	simm.s32 @p1 $0x0;
	v32 =	vmul.f32 v44, v48  }
0xbc: {  	s17 =	sadd.s32 $0x200, s17;
	v43, _, _ =	vpop (xrf1);
	v54 =	vsub.f32 s15, v47;
	v53 =	vsub.f32 s15, v49;
	vm2 =	vge.f32 v48, s16  }
0xbd: {  	(xrf1) =	vsort.ascd.msk.f32 $0xffff, v30, v30;
	_ =	sdelay $0x1  }
0xbe: {  	v38 =	vpop (erf);
	(xrf1) =	vsort.ascd.msk.f32 $0xffff, v25, v25  }
0xbf: {  	(xrf1) =	vsort.ascd.msk.f32 $0xffff, v38, v38  }
0xc0: {  	v47, _, _ =	vpop (xrf1)  }
0xc1: {  	v50, _, _ =	vpop (xrf1);
	(xrf1) =	vsort.ascd.msk.f32 $0xffff, v36, v36  }
0xc2: {  	v48, _, _ =	vpop (xrf1)  }
0xc3: {  	v49, _, _ =	vpop (xrf1)  }
0xc4: {  	v49 =	vperm.xlane v49, v0  }
0xc5: {  	v48 =	vperm.xlane v48, v0  }
0xc6: {  	v56 =	vmax.f32 v47, v49;
	v55, _, _ =	vpop (xrf1)  }
0xc7: {  	(xrf2) =	vadd.scan.msk.f32 $0xffff, v43;
	v47 =	vmin.f32 v47, v49;
	v57 =	vmax.f32 v55, v48;
	v48 =	vmin.f32 v55, v48  }
0xc8: {  	(xrf2) =	vadd.scan.msk.f32 $0xffff, v50;
	v58 =	vmin.f32 v56, v57;
	v55 =	vmin.f32 v47, v48;
	v47 =	vmax.f32 v47, v48  }
0xc9: {  	(xrf1) =	vsort.ascd.msk.f32 $0xffff, v58, v58  }
0xca: {  	(xrf1) =	vsort.ascd.msk.f32 $0xffff, v55, v55;
	v59, _, _ =	vpop (xrf1)  }
0xcb: {  	(xrf1) =	vsort.ascd.msk.f32 $0xffff, v47, v47;
	v47, _, _ =	vpop (xrf2)  }
0xcc: {  	v49 =	vperm.xlane v59, v0;
	v60, _, _ =	vpop (xrf1)  }
0xcd: {  	v61, _, _ =	vpop (xrf1)  }
0xce: {  	v57 =	vmax.f32 v56, v57;
	v55, _, _ =	vpop (xrf2);
	v62 =	vmin.f32 v60, v49;
	v48 =	vperm.xlane v61, v0  }
0xcf: {  	v63, _, _ =	vpop (xrf1);
	(xrf1) =	vsort.ascd.msk.f32 $0xffff, v62, v62  }
0xd0: {  	v56, _, _ =	vpop (xrf2);
	(xrf1) =	vsort.ascd.msk.f32 $0xffff, v57, v57;
	v59 =	vmin.f32 v63, v48  }
0xd1: {  	(v2sf) =	vpush v56, $0xF;
	v48 =	vmax.f32 v63, v48;
	v57, _, _ =	vpop (xrf2);
	(xrf1) =	vsort.ascd.msk.f32 $0xffff, v59, v59  }
0xd2: {  	(v2sf) =	vpush v57, $0xF;
	(xrf1) =	vsort.ascd.msk.f32 $0xffff, v48, v48  }
0xd3: {  	v60 =	vmax.f32 v60, v49  }
0xd4: {  	(v2sf) =	vpush v55, $0xF;
	(xrf1) =	vsort.ascd.msk.f32 $0xffff, v60, v60  }
0xd5: {  	v58, _, _ =	vpop (xrf2);
	(v2sf) =	vpush v47, $0xF  }
0xd6: {  	(v2sf) =	vpush v58, $0xF  }
0xd7: {  	v29 =	vmul.f32 v29, v21;
	v59 =	vmul.f32 v28, v22;
	_ =	sdelay $0x1  }
0xd8: {  	v61 =	vmul.f32 v27, v23;
	v29 =	vadd.f32 v29, v59  }
0xd9: {  	v48, _, _ =	vpop (xrf1)  }
0xda: {  	v52 =	vsub.f32 s15, v52;
	v26 =	vmul.f32 v26, v24;
	v29 =	vadd.f32 v61, v29;
	v49, _, _ =	vpop (xrf1)  }
0xdb: {  	v51 =	vsub.f32 s15, v51;
	v54 =	vadd.f32 v54, v45;
	v28, _, _ =	vpop (xrf1)  }
0xdc: {  	s17 =	smul.f32 $7.500000000e-01, s15;
	v53 =	vadd.f32 v53, v46;
	v26 =	vadd.f32 v26, v29;
	v60, _, _ =	vpop (xrf1)  }
0xdd: {  	v52 =	vadd.f32 v52, v40;
	v27, _, _ =	vpop (xrf1)  }
0xde: {  	vm3 =	vle.f32 v54, s17;
	vm4 =	vle.f32 v53, s17;
	(xrf2) =	vadd.scan.msk.f32 $0xffff, v26;
	v26 =	vadd.f32 v51, v42;
	v62, _, _ =	vpop (xrf1)  }
0xdf: {  	vm5 =	vle.f32 v52, s17;
	v52 =	vnsel vm4, $0x7F61B1E6, v46;
	s18 =	spop (v2sf);
	v63, _, _ =	vpop (xrf1);
	v54 =	vperm.xlane v62, v0  }
0xe0: {  	v62 =	vnsel vm3, $0x7F61B1E6, v45;
	vm3 =	vle.f32 v26, s17;
	s29 =	spop (v2sf);
	v59 =	vperm.xlane v63, v0  }
0xe1: {  	vm12 =	vmor vm5, vm0;
	(xrf2) =	vadd.scan.msk.f32 $0xffff, v48;
	v45 =	vmul.f32 v34, v18;
	v29, _, _ =	vpop (xrf1);
	v26 =	vnsel vm3, $0x7F61B1E6, v42;
	s19 =	sadd.f32 s29, s18  }
0xe2: {  	(xrf2) =	vadd.scan.msk.f32 $0xffff, v49;
	s30 =	spop (v2sf);
	v53 =	vmax.f32 v60, v59;
	v59 =	vmin.f32 v60, v59;
	v60 =	vmax.f32 v29, v54  }
0xe3: {  	(xrf2) =	vadd.scan.msk.f32 $0xffff, v28;
	s18 =	spop (v2sf);
	v29 =	vmin.f32 v29, v54;
	v54 =	vnsel vm12, $0x7F61B1E6, v40;
	s20 =	sadd.f32 s19, s30;
	v61 =	vmin.f32 v53, v60  }
0xe4: {  	s31 =	spop (v2sf);
	v51 =	vadd.f32 s19, v55;
	v63 =	vmin.f32 v59, v29;
	v29 =	vmax.f32 v59, v29;
	(xrf1) =	vsort.ascd.msk.f32 $0xffff, v61, v61  }
0xe5: {  	v59 =	vmin.f32 v62, v52;
	v26 =	vmin.f32 v26, v54;
	v61 =	vbroadcast v56, $0xF;
	s17 =	sadd.f32 s20, s31;
	(xrf1) =	vsort.ascd.msk.f32 $0xffff, v63, v63  }
0xe6: {  	v46 =	vmax.f32 v53, v60;
	v26 =	vmin.f32 v59, v26;
	v52 =	vadd.f32 s20, v58;
	(xrf1) =	vsort.ascd.msk.f32 $0xffff, v29, v29  }
0xe7: {  	(xrf0) =	vmin.scan.msk.f32 $0xffff, v26;
	v63 =	vmul.f32 v31, v20;
	v62 =	vadd.f32 v61, v57;
	v53 =	vsub.f32 s17, v56  }
0xe8: {  	v55 =	vsub.f32 s17, v51;
	v56 =	vsub.f32 s17, v52  }
0xe9: {  	v54 =	vmul.f32 v33, v17;
	v29 =	vadd.f32 v45, v63;
	v26 =	vsub.f32 s17, v62  }
0xea: {  	s20 =	smul.f32 $7.500000000e-01, s17;
	(xrf1) =	vsort.ascd.msk.f32 $0xffff, v46, v46;
	v34 =	vadd.f32 v53, v41;
	v40 =	vadd.f32 v56, v50  }
0xeb: {  	v35 =	vmul.f32 v35, v19;
	v33 =	vadd.f32 v55, v37;
	v31 =	vadd.f32 v54, v29  }
0xec: {  	(xrf2) =	vadd.scan.msk.f32 $0xffff, v27;
	v26 =	vadd.f32 v26, v43;
	vm3 =	vle.f32 v34, s20  }
0xed: {  	vm14 =	vle.f32 v40, s20;
	vm6 =	vle.f32 v33, s20;
	v57, _, _ =	vpop (xrf0);
	v31 =	vadd.f32 v35, v31  }
0xee: {  	v29, _, _ =	vpop (xrf2);
	vm5 =	vmor vm14, vm0;
	v58 =	vnsel vm3, $0x7F61B1E6, v41;
	vm13 =	vle.f32 v26, s20  }
0xef: {  	v60 =	vnsel vm6, $0x7F61B1E6, v37;
	v35, _, _ =	vpop (xrf2);
	v61 =	vnsel vm5, $0x7F61B1E6, v50;
	v59 =	vnsel vm13, $0x7F61B1E6, v43  }
0xf0: {  	v40, _, _ =	vpop (xrf2);
	v37 =	vmin.f32 v60, v61;
	v26 =	vmin.f32 v58, v59  }
0xf1: {  	(v2sf) =	vpush v57, $0xF;
	(xrf2) =	vadd.scan.msk.f32 $0xffff, v31;
	v62, _, _ =	vpop (xrf2);
	v26 =	vmin.f32 v26, v37  }
0xf2: {  	(v2sf) =	vpush v40, $0xF;
	(xrf0) =	vmin.scan.msk.f32 $0xffff, v26;
	v31, _, _ =	vpop (xrf1)  }
0xf3: {  	(v2sf) =	vpush v62, $0xF;
	(xrf2) =	vadd.scan.msk.f32 $0xffff, v31;
	v33, _, _ =	vpop (xrf1)  }
0xf4: {  	(xrf2) =	vadd.scan.msk.f32 $0xffff, v33;
	v34, _, _ =	vpop (xrf1)  }
0xf5: {  	(v2sf) =	vpush v35, $0xF;
	(xrf2) =	vadd.scan.msk.f32 $0xffff, v34  }
0xf6: {  	v63, _, _ =	vpop (xrf2);
	(v2sf) =	vpush v29, $0xF  }
0xf7: {  	(v2sf) =	vpush v63, $0xF  }
0xf8: {  	v41, _, _ =	vpop (xrf1)  }
0xf9: {  	(xrf2) =	vadd.scan.msk.f32 $0xffff, v41;
	_ =	sdelay $0x1  }
0xfa: {  	v56, _, _ =	vpop (xrf0)  }
0xfb: {  	v26, _, _ =	vpop (xrf2)  }
0xfc: {  	v45, _, _ =	vpop (xrf2)  }
0xfd: {  	(v2sf) =	vpush v56, $0xF;
	v43, _, _ =	vpop (xrf2)  }
0xfe: {  	v51 =	vmul.f32 v44, v14;
	(v2sf) =	vpush v43, $0xF;
	v57, _, _ =	vpop (xrf2)  }
0xff: {  	v2 =	vadd.f32 v32, v2;
	s22 =	spop (v2sf);
	(v2sf) =	vpush v57, $0xF  }
0x100: {  	v52 =	vmul.f32 v44, v16;
	v5 =	vadd.f32 v51, v5;
	vm3 =	vge.f32 v16, s16;
	s21 =	spop (v2sf)  }
0x101: {  	v59 =	vnsel vm2, $0x0, v32;
	vm2 =	vge.f32 v14, s16;
	s23 =	spop (v2sf);
	(v2sf) =	vpush v45, $0xF  }
0x102: {  	v61 =	vmul.f32 v44, v39;
	v14 =	vnsel vm2, $0x0, v51;
	s20 =	sadd.f32 s23, s21;
	v58, _, _ =	vpop (xrf2);
	(v2sf) =	vpush v26, $0xF  }
0x103: {  	v12 =	vadd.f32 v14, v12;
	v14 =	vmov s15;
	s24 =	spop (v2sf);
	(v2sf) =	vpush v58, $0xF  }
0x104: {  	v4 =	vadd.f32 v52, v4;
	v16 =	vnsel vm3, $0x0, v52;
	v14 =	vadd.f32 $0.0e+00, v14;
	s21 =	spop (v2sf);
	s23 =	sadd.f32 s20, s24  }
0x105: {  	v11 =	vadd.f32 v16, v11;
	v60 =	vbroadcast v40, $0xF;
	v16 =	vmul.f32 v61, v44;
	s25 =	spop (v2sf)  }
0x106: {  	v10 =	vadd.f32 v59, v10;
	vm2 =	vge.f32 v15, s16;
	(erf) = vrcp.f32 v14;
	s19 =	sadd.f32 s23, s25  }
0x107: {  	v15 =	vmul.f32 v44, v15;
	v37 =	vadd.f32 v60, v62;
	v1 =	vadd.f32 v16, v1  }
0x108: {  	v35 =	vadd.f32 s20, v35;
	v40 =	vsub.f32 s19, v40  }
0x109: {  	v44 =	vmul.f32 v30, v30;
	v3 =	vadd.f32 v15, v3;
	v62 =	vadd.f32 s23, v63  }
0x10a: {  	v60 =	vmul.f32 v36, v36;
	v35 =	vsub.f32 s19, v35;
	s28 =	smul.f32 $7.500000000e-01, s19;
	v40 =	vadd.f32 v40, v49  }
0x10b: {  	v63 =	vnsel vm2, $0x0, v15;
	v37 =	vsub.f32 s19, v37;
	v39 =	vsub.f32 s19, v62  }
0x10c: {  	s16 =	spop (v2sf);
	v14 =	vadd.f32 v35, v48;
	vm2 =	vle.f32 v40, s28;
	v40 =	vmov s17  }
0x10d: {  	v54 =	vbroadcast v43, $0xF;
	v37 =	vadd.f32 v37, v28;
	v16 =	vadd.f32 $0.0e+00, v40;
	s26 =	spop (v2sf)  }
0x10e: {  	v39 =	vadd.f32 v39, v27;
	vm8 =	vle.f32 v14, s28;
	v14 =	vmul.f32 v25, v25;
	s24 =	spop (v2sf)  }
0x10f: {  	v15 =	vpop (erf);
	v6 =	vadd.f32 v63, v6;
	v63 =	vmul.f32 v38, v38;
	(erf) = vrcp.f32 v16;
	s24 =	sadd.f32 s24, s26  }
0x110: {  	vm3 =	vle.f32 v37, s28;
	vm15 =	vle.f32 v39, s28;
	v14 =	vadd.f32 v44, v14;
	s29 =	spop (v2sf)  }
0x111: {  	vm4 =	vmor vm15, vm0;
	v53 =	vnsel vm2, $0x7F61B1E6, v49;
	v28 =	vnsel vm3, $0x7F61B1E6, v28;
	s30 =	spop (v2sf);
	s25 =	sadd.f32 s24, s29  }
0x112: {  	v55 =	vnsel vm8, $0x7F61B1E6, v48;
	v27 =	vnsel vm4, $0x7F61B1E6, v27;
	v14 =	vadd.f32 v60, v14;
	s31 =	spop (v2sf)  }
0x113: {  	v56 =	vadd.f32 v54, v57;
	v28 =	vmin.f32 v53, v28;
	v27 =	vmin.f32 v55, v27;
	s20 =	sadd.f32 s25, s31  }
0x114: {  	v27 =	vmin.f32 v28, v27;
	v14 =	vadd.f32 v63, v14;
	v57 =	vadd.f32 s25, v58;
	s25 =	smul.f32 $5.000000000e-01, s15  }
0x115: {  	(xrf0) =	vmin.scan.msk.f32 $0xffff, v27;
	v58 =	vadd.f32 s24, v45;
	v59 =	vsub.f32 s20, v43  }
0x116: {  	v50 =	vmov s19;
	(xrf2) =	vadd.scan.msk.f32 $0xffff, v14;
	v35 =	vsub.f32 s20, v56;
	v39 =	vsub.f32 s20, v57;
	s15 =	smul.f32 s25, s15  }
0x117: {  	v14 =	vmul.f32 v15, v13;
	v37 =	vsub.f32 s20, v58;
	v42 =	vadd.f32 v59, v33  }
0x118: {  	v49 =	vbroadcast v29, $0xF;
	v55 =	vpop (erf);
	s26 =	smul.f32 $7.500000000e-01, s20;
	v61 =	vadd.f32 v35, v34;
	v62 =	vadd.f32 v39, v41;
	p0 =	slt.f32 s18, s15  }
0x119: {  	v2 =	vadd.f32 v14, v2;
	v56 =	vmul.f32 v55, v23;
	v37 =	vadd.f32 v37, v31  }
0x11a: {  	vm2 =	vle.f32 v42, s26;
	vm3 =	vle.f32 v61, s26;
	vm9 =	vle.f32 v62, s26;
	s22 =	simm.s32 @p0 $0x0  }
0x11b: {  	vm10 =	vle.f32 v37, s26;
	v42 =	vbroadcast v47, $0xF;
	vm11 =	vge.f32 v13, s22  }
0x11c: {  	v47, _, _ =	vpop (xrf0);
	vm4 =	vmor vm9, vm0;
	v13 =	vnsel vm2, $0x7F61B1E6, v33;
	v43 =	vnsel vm3, $0x7F61B1E6, v34  }
0x11d: {  	s28 =	smul.f32 $5.000000000e-01, s17;
	v44 =	vnsel vm10, $0x7F61B1E6, v31;
	(v2sf) =	vpush v47, $0xF;
	vm2 =	vge.f32 v8, s22  }
0x11e: {  	vm3 =	vge.f32 v9, s22;
	vm12 =	vge.f32 v7, s22;
	v45 =	vnsel vm4, $0x7F61B1E6, v41  }
0x11f: {  	s15 =	smul.f32 s28, s17;
	v8 =	vmul.f32 v15, v8;
	v13 =	vmin.f32 v13, v43;
	v48 =	vmin.f32 v44, v45  }
0x120: {  	v9 =	vmul.f32 v15, v9;
	v7 =	vmul.f32 v15, v7;
	v54, _, _ =	vpop (xrf2);
	v13 =	vmin.f32 v13, v48  }
0x121: {  	p0 =	slt.f32 s21, s15;
	v46 =	vnsel vm11, $0x0, v14;
	(v2sf) =	vpush v54, $0xF;
	(xrf0) =	vmin.scan.msk.f32 $0xffff, v13;
	v13 =	vmul.f32 v15, v42  }
0x122: {  	v14 =	vmov s20;
	v10 =	vadd.f32 v46, v10;
	v51 =	vnsel vm2, $0x0, v8  }
0x123: {  	s16 =	simm.s32 @p0 $0x0;
	v52 =	vnsel vm3, $0x0, v9;
	v13 =	vmul.f32 v13, v15;
	v15 =	vadd.f32 $0.0e+00, v50  }
0x124: {  	v53 =	vnsel vm12, $0x0, v7;
	v5 =	vadd.f32 v8, v5;
	vm2 =	vge.f32 v24, s16  }
0x125: {  	v4 =	vadd.f32 v9, v4;
	v3 =	vadd.f32 v7, v3;
	v8 =	vbroadcast v26, $0xF  }
0x126: {  	v9 =	vmul.f32 v55, v49;
	vm3 =	vge.f32 v21, s16;
	(erf) = vrcp.f32 v15  }
0x127: {  	v14 =	vadd.f32 $0.0e+00, v14;
	vm13 =	vge.f32 v23, s16;
	v12 =	vadd.f32 v51, v12;
	v15, _, _ =	vpop (xrf0)  }
0x128: {  	v1 =	vadd.f32 v13, v1;
	v13 =	vmul.f32 v55, v24;
	(v2sf) =	vpush v15, $0xF  }
0x129: {  	s29 =	smul.f32 $5.000000000e-01, s19;
	v11 =	vadd.f32 v52, v11;
	v6 =	vadd.f32 v53, v6;
	v23 =	vnsel vm13, $0x0, v56  }
0x12a: {  	v9 =	vmul.f32 v9, v55;
	v3 =	vadd.f32 v56, v3;
	v7 =	vnsel vm2, $0x0, v13  }
0x12b: {  	s15 =	smul.f32 s29, s19;
	v6 =	vadd.f32 v23, v6;
	v7 =	vadd.f32 v7, v10;
	v10 =	vmul.f32 v55, v22  }
0x12c: {  	(erf) = vrcp.f32 v14;
	vm2 =	vge.f32 v22, s16;
	v15 =	vmul.f32 v55, v21  }
0x12d: {  	p0 =	slt.f32 s30, s15;
	v1 =	vadd.f32 v9, v1;
	v2 =	vadd.f32 v13, v2;
	v22 =	vnsel vm2, $0x0, v10  }
0x12e: {  	v57 =	vnsel vm3, $0x0, v15;
	v5 =	vadd.f32 v10, v5;
	v4 =	vadd.f32 v15, v4;
	s15 =	spop (v2sf)  }
0x12f: {  	v12 =	vadd.f32 v22, v12;
	v11 =	vadd.f32 v57, v11;
	s15 =	simm.s32 @p0 $0x0;
	v14 =	vpop (erf)  }
0x130: {  	vm2 =	vge.f32 v19, s15;
	v58 =	vmul.f32 v14, v19;
	v8 =	vmul.f32 v14, v8  }
0x131: {  	vm3 =	vge.f32 v18, s15;
	v10 =	vmul.f32 v14, v18;
	v15 =	vmul.f32 v14, v17  }
0x132: {  	s30 =	smul.f32 $5.000000000e-01, s20;
	vm14 =	vge.f32 v17, s15;
	v9 =	vnsel vm2, $0x0, v58;
	vm2 =	vge.f32 v20, s15  }
0x133: {  	v8 =	vmul.f32 v8, v14;
	v4 =	vadd.f32 v10, v4;
	v3 =	vadd.f32 v15, v3  }
0x134: {  	s16 =	smul.f32 s30, s20;
	v60 =	vnsel vm14, $0x0, v15;
	v2 =	vadd.f32 v58, v2;
	v7 =	vadd.f32 v9, v7  }
0x135: {  	s31 =	spop (v2sf);
	v61 =	vpop (erf);
	v9 =	vmul.f32 v14, v20;
	v14 =	vnsel vm3, $0x0, v10;
	v6 =	vadd.f32 v60, v6  }
0x136: {  	p0 =	slt.f32 s31, s16;
	v11 =	vadd.f32 v14, v11;
	v14 =	vmul.f32 v61, v38;
	v1 =	vadd.f32 v8, v1  }
0x137: {  	v59 =	vnsel vm2, $0x0, v9;
	v5 =	vadd.f32 v9, v5;
	v9 =	vmul.f32 v61, v30;
	s15 =	spop (v2sf)  }
0x138: {  	v13 =	vbroadcast v54, $0xF;
	v12 =	vadd.f32 v59, v12;
	v2 =	vadd.f32 v14, v2;
	s15 =	simm.s32 @p0 $0x0  }
0x139: {  	s14 =	sadd.s32 $0x1, s14;
	v4 =	vadd.f32 v9, v4;
	vm2 =	vge.f32 v38, s15;
	vm3 =	vge.f32 v30, s15  }
0x13a: {  	p0 =	sne.s32 s14, $0xB;
	vm15 =	vge.f32 v36, s15;
	v8 =	vnsel vm2, $0x0, v14;
	v62 =	vnsel vm3, $0x0, v9  }
.Ltmp1:
0x13b: {  	v10 =	vadd.f32 v8, v7;
	v7 =	vmul.f32 v61, v13;
	v8 =	vmul.f32 v61, v25;
	(pc) =	sbr.rel @p0 .LBB2_2-.Ltmp1, $4  }
0x13c: {  	vm2 =	vge.f32 v25, s15;
	v13 =	vmul.f32 v61, v36;
	v11 =	vadd.f32 v62, v11  }
0x13d: {  	v15 =	vnsel vm2, $0x0, v8;
	v7 =	vmul.f32 v7, v61;
	v5 =	vadd.f32 v8, v5  }
0x13e: {  	v63 =	vnsel vm15, $0x0, v13;
	v3 =	vadd.f32 v13, v3;
	v12 =	vadd.f32 v15, v12  }
0x13f: {  	v6 =	vadd.f32 v63, v6;
	v1 =	vadd.f32 v7, v1  }
0x140: {  	[tilespmem:$0x8000] =	vst v5  }
0x141: {  	[tilespmem:$0x8010] =	vst v4  }
0x142: {  	[tilespmem:$0x8020] =	vst v3  }
0x143: {  	[tilespmem:$0x8030] =	vst v2  }
0x144: {  	[tilespmem:$0x8080] =	vst v12  }
0x145: {  	[tilespmem:$0x8090] =	vst v11  }
0x146: {  	[tilespmem:$0x80B0] =	vst v10  }
0x147: {  	[tilespmem:$0x80A0] =	vst v6;
	v1 =	vnsel vm1, $0x0, v1  }
0x148: {  	[tilespmem:$0x8100] =	vst v1  }
0x149: {  	[hbm4b:s5+s3] =	stream.linear.scatter [tilespmem:s10], [sflag:$0x1], $0x80, $0x38;
	[tilespmem:$0x8180] =	vst v63  }
0x14a: {  	_ =	swait.ge [sflag:s9], $0x80  }
0x14b: {  	[sflag:s9] =	ssyncset.done $0x0  }
0x14c: {  	[sflag:s9] =	ssyncadd.s32 $0xFFFFFF80  }
0x14d: {  	[hbm4b:s6+s3] =	stream.linear.scatter [tilespmem:s11], [sflag:$0x1], $0x80, $0x38;
	[tilespmem:$0x8180] =	vst v63  }
0x14e: {  	s13 =	sadd.s32 $0x1, s13;
	_ =	swait.ge [sflag:s9], $0x80  }
0x14f: {  	p0 =	sne.s32 s13, s8;
	[sflag:s9] =	ssyncset.done $0x0  }
.Ltmp2:
0x150: {  	[sflag:s9] =	ssyncadd.s32 $0xFFFFFF80;
	(pc) =	sbr.rel @p0 .LBB2_1-.Ltmp2, $4  }
0x151: {  	[hbm4b:s7+s3] =	stream.linear.scatter [tilespmem:s12], [sflag:$0x1], $0x80, $0x38;
	[tilespmem:$0x8180] =	vst v63  }
0x152: {  	_ =	swait.ge [sflag:s9], $0x80  }
0x153: {  	[sflag:s9] =	ssyncset.done $0x0  }
0x154: {  	[sflag:s9] =	ssyncadd.s32 $0xFFFFFF80  }
0x155: {  	_ =	sfence.sel $0x180000  }
0x156: {  	[bflag:$0x0] =	sbarrier.arrive $0xFFFF  }
0x157: {  	p0 =	sne.s32 s0, $0x0;
	_ =	strace $0x90000047  }
0x158: {  	s0 =	sadd.s32 @!p0 $0x100000, s1;
	[bflag:$0x2] =	sbarrier.arrive $0xFFFF  }
0x159: {  	[sflag:s0] =	ssyncadd.tile.s32 @!p0 $0x1;
	_ =	shalt  }
.Lfunc_end2:
_tile_overlayer_lowered:
.L_overlay_start_2:
0x15a: {  	(tag) =	ssettag $0x2  }
0x15b: {  	s0 =	rddreg [dreg:$0x0];
	s2 =	stileid.u32  }
0x15c: {  	s1 =	rddreg [dreg:$0x1];
	p0 =	sne.s32 s2, $0x0  }
0x15d: {  	s3 =	rddreg [dreg:$0x2];
	[bflag:$0x3] =	sbarrier.arrive $0xFFFF;
	s2 =	simm.s32 @!p0 $0x1C01  }
0x15e: {  	[timem:s3], [sflag:s2] =	dma.local @!p0 [hbm:s0], s1  }
0x15f: {  	s0 =	simm.s32 @!p0 $0x1  }
0x160: {  	_ =	swait.ge @!p0 [sflag:s0], s1  }
0x161: {  	s1 =	ssub.s32 @!p0 $0x0, s1;
	[sflag:s0] =	ssyncset.done @!p0 $0x0  }
0x162: {  	[sflag:s0] =	ssyncadd.s32 @!p0 s1  }
0x163: {  	[bflag:$0x3] =	sbarrier.arrive $0xFFFF  }
0x164: {  	_ =	shalt  }

</sc_bundles>
